<compile_context>
chip_gen: v7x
topology: tpu7x:2x2x1
jax: 0.10.2.dev20260603
libtpu: 0.0.44.dev20260713+nightly
codegen_flags: <defaults>
</compile_context>

<pallas_src>
import functools

import jax
import jax.numpy as jnp
from jax import lax
from jax.experimental import pallas as pl
from jax.experimental.pallas import tpu as pltpu
from jax.experimental.pallas import tpu_sc as plsc

N = 10000
E = 320000
D = 128
DH = 144
D_EDGE = 16

NC = 2
NS = 16
NW = NC * NS
EPW = E // NW
B = 80
NCHUNK = EPW // B
NPAD = 10112
NPT = NPAD // NS
WB = NPT // B
WTAIL = NPT - WB * B


def _node_mm_body(x_ref, wa_ref, wb_ref, xa_ref, xb_ref):
    xv = x_ref[...]
    xa_ref[...] = jnp.dot(xv, wa_ref[...], preferred_element_type=jnp.float32)
    xb_ref[...] = jnp.dot(xv, wb_ref[...], preferred_element_type=jnp.float32)


def _edge_mm_body(attr_ref, we_ref, b1_ref, ea_ref):
    ea_ref[...] = (
        jnp.dot(attr_ref[...], we_ref[...], preferred_element_type=jnp.float32)
        + b1_ref[...]
    )


def _cnt_mm_body(col_ref, cnt_ref):
    i = pl.program_id(0)
    colv = col_ref[...]
    hi = lax.shift_right_logical(colv, 7)
    lo = lax.bitwise_and(colv, 127)
    r80 = lax.broadcasted_iota(jnp.int32, (1, 80), 1)
    l128 = lax.broadcasted_iota(jnp.int32, (1, D), 1)
    m = (hi == r80).astype(jnp.float32)
    p = (lo == l128).astype(jnp.float32)
    acc = lax.dot_general(m, p, (((0,), (0,)), ((), ())),
                          preferred_element_type=jnp.float32)

    @pl.when(i == 0)
    def _():
        cnt_ref[...] = jnp.zeros_like(cnt_ref)

    cnt_ref[...] += acc


def _final_body(h0_ref, h1_ref, cnt_ref, w2_ref, b2_ref, out_ref):
    hsum = h0_ref[...] + h1_ref[...]
    cnt = cnt_ref[...]
    acc = jnp.dot(hsum, w2_ref[...], preferred_element_type=jnp.float32)
    out_ref[...] = (acc + cnt * b2_ref[...]) / jnp.maximum(cnt, 1.0)


def _sc_edge_body(pk_hbm, ea_hbm, xa_hbm, xb_hbm, zh_hbm,
                  h_out,
                  pk_v, row_v, col_v, buf_a, buf_b, buf_e,
                  h_sh, sem_a, sem_b, sem_e):
    c = lax.axis_index("c")
    s = lax.axis_index("s")
    wid = c * NS + s
    node_base = s * NPT
    out_base = c * NPAD + node_base

    def zero_h(k, _):
        pltpu.sync_copy(zh_hbm, h_sh.at[pl.ds(node_base + k * B, B)])
        return 0
    lax.fori_loop(0, WB, zero_h, 0)
    pltpu.sync_copy(zh_hbm.at[pl.ds(0, WTAIL)],
                    h_sh.at[pl.ds(node_base + WB * B, WTAIL)])

    plsc.subcore_barrier()

    pltpu.sync_copy(pk_hbm.at[pl.ds(wid * EPW, EPW)], pk_v)

    def chunk(i, _):
        base = i * B
        for g in range(B // 16):
            w = pk_v[pl.ds(base + g * 16, 16)]
            row_v[pl.ds(g * 16, 16)] = lax.shift_right_logical(w, 14)
            col_v[pl.ds(g * 16, 16)] = lax.bitwise_and(w, 16383)
        cp_a = pltpu.async_copy(xa_hbm.at[row_v], buf_a, sem_a)
        cp_b = pltpu.async_copy(xb_hbm.at[col_v], buf_b, sem_b)
        cp_e = pltpu.async_copy(ea_hbm.at[pl.ds(wid * EPW + base, B)], buf_e, sem_e)
        cp_a.wait()
        cp_b.wait()
        cp_e.wait()

        def edge(e, _):
            for j in range(D // 16):
                sl = pl.ds(j * 16, 16)
                v = buf_a[e, sl] + buf_b[e, sl] + buf_e[e, sl]
                buf_e[e, sl] = jnp.maximum(v, 0.0)
            return 0
        lax.fori_loop(0, B, edge, 0)

        pltpu.sync_copy(buf_e, h_sh.at[col_v], add=True)
        return 0
    lax.fori_loop(0, NCHUNK, chunk, 0)

    plsc.subcore_barrier()

    def wb(k, _):
        off = k * B
        pltpu.sync_copy(h_sh.at[pl.ds(node_base + off, B)], buf_a)
        pltpu.sync_copy(buf_a, h_out.at[pl.ds(out_base + off, B)])
        return 0
    lax.fori_loop(0, WB, wb, 0)
    off2 = WB * B
    pltpu.sync_copy(h_sh.at[pl.ds(node_base + off2, WTAIL)],
                    buf_a.at[pl.ds(0, WTAIL)])
    pltpu.sync_copy(buf_a.at[pl.ds(0, WTAIL)],
                    h_out.at[pl.ds(out_base + off2, WTAIL)])


@functools.partial(
    pl.kernel,
    out_type=jax.ShapeDtypeStruct((NC * NPAD, D), jnp.float32),
    mesh=plsc.VectorSubcoreMesh(core_axis_name="c", subcore_axis_name="s"),
    scratch_types=[
        pltpu.VMEM((EPW,), jnp.int32),
        pltpu.VMEM((B,), jnp.int32),
        pltpu.VMEM((B,), jnp.int32),
        pltpu.VMEM((B, D), jnp.float32),
        pltpu.VMEM((B, D), jnp.float32),
        pltpu.VMEM((B, D), jnp.float32),
        pltpu.VMEM_SHARED((NPAD, D), jnp.float32),
        pltpu.SemaphoreType.DMA,
        pltpu.SemaphoreType.DMA,
        pltpu.SemaphoreType.DMA,
    ],
)
def _sc_edge_kernel(*refs):
    _sc_edge_body(*refs)


def kernel(x, edge_index, edge_attr, W1, b1, W2, b2):
    row = edge_index[0]
    col = edge_index[1]
    w1a = W1[:D]
    w1b = W1[D:2 * D]
    w1e = W1[2 * D:]
    b1r = b1.reshape(1, D)
    b2r = b2.reshape(1, D)

    nb = 400
    xa, xb = pl.pallas_call(
        _node_mm_body,
        grid=(N // nb,),
        in_specs=[
            pl.BlockSpec((nb, D), lambda i: (i, 0)),
            pl.BlockSpec((D, D), lambda i: (0, 0)),
            pl.BlockSpec((D, D), lambda i: (0, 0)),
        ],
        out_specs=[
            pl.BlockSpec((nb, D), lambda i: (i, 0)),
            pl.BlockSpec((nb, D), lambda i: (i, 0)),
        ],
        out_shape=[
            jax.ShapeDtypeStruct((N, D), jnp.float32),
            jax.ShapeDtypeStruct((N, D), jnp.float32),
        ],
    )(x, w1a, w1b)

    eb = 1280
    ea = pl.pallas_call(
        _edge_mm_body,
        grid=(E // eb,),
        in_specs=[
            pl.BlockSpec((eb, D_EDGE), lambda i: (i, 0)),
            pl.BlockSpec((D_EDGE, D), lambda i: (0, 0)),
            pl.BlockSpec((1, D), lambda i: (0, 0)),
        ],
        out_specs=pl.BlockSpec((eb, D), lambda i: (i, 0)),
        out_shape=jax.ShapeDtypeStruct((E, D), jnp.float32),
    )(edge_attr, w1e, b1r)

    zh = jnp.zeros((B, D), jnp.float32)
    packed = jnp.bitwise_or(jnp.left_shift(row, 14), col)
    h_part = _sc_edge_kernel(packed, ea, xa, xb, zh)

    cb = 3200
    cnt_mat = pl.pallas_call(
        _cnt_mm_body,
        grid=(E // cb,),
        in_specs=[pl.BlockSpec((cb, 1), lambda i: (i, 0))],
        out_specs=pl.BlockSpec((80, D), lambda i: (0, 0)),
        out_shape=jax.ShapeDtypeStruct((80, D), jnp.float32),
    )(col.reshape(E, 1))
    cnt_col = cnt_mat.reshape(80 * D, 1)

    out = pl.pallas_call(
        _final_body,
        grid=(N // nb,),
        in_specs=[
            pl.BlockSpec((nb, D), lambda i: (i, 0)),
            pl.BlockSpec((nb, D), lambda i: (i, 0)),
            pl.BlockSpec((nb, 1), lambda i: (i, 0)),
            pl.BlockSpec((D, D), lambda i: (0, 0)),
            pl.BlockSpec((1, D), lambda i: (0, 0)),
        ],
        out_specs=pl.BlockSpec((nb, D), lambda i: (i, 0)),
        out_shape=jax.ShapeDtypeStruct((N, D), jnp.float32),
    )(h_part[:NPAD], h_part[NPAD:], cnt_col, W2, b2r)

    return out

# --- scband reference (transcript-rebuilt; emitter-appended) ---
"""Pipeline reference for scband-edge-conv-76965813944552 (READ-ONLY COPY).

The authoritative reference and input builder live on the scoring server;
editing this copy changes nothing except your own understanding.
"""

import jax, jax.numpy as jnp
import numpy as np

N = 10000
E = 320000
D_IN = 128
D_EDGE = 16
D_OUT = 128


def setup_inputs(seed: int = 0) -> dict:
    key = jax.random.key(seed)
    k1, k2, k3, k4, k5, k6, k7 = jax.random.split(key, 7)
    x = jax.random.normal(k1, (N, D_IN), dtype=jnp.float32)
    edge_index = jax.random.randint(k2, (2, E), 0, N, dtype=jnp.int32)
    edge_attr = jax.random.normal(k3, (E, D_EDGE), dtype=jnp.float32)
    fan_in1 = 2 * D_IN + D_EDGE
    W1 = jax.random.normal(k4, (fan_in1, D_OUT), dtype=jnp.float32) * (1.0 / np.sqrt(fan_in1))
    b1 = jax.random.normal(k5, (D_OUT,), dtype=jnp.float32) * 0.01
    W2 = jax.random.normal(k6, (D_OUT, D_OUT), dtype=jnp.float32) * (1.0 / np.sqrt(D_OUT))
    b2 = jax.random.normal(k7, (D_OUT,), dtype=jnp.float32) * 0.01
    return {"x": x, "edge_index": edge_index, "edge_attr": edge_attr,
            "W1": W1, "b1": b1, "W2": W2, "b2": b2}


def reference(x, edge_index, edge_attr, W1, b1, W2, b2):
    row = edge_index[0]
    col = edge_index[1]
    messages = jnp.concatenate([x[row], x[col], edge_attr], axis=-1)
    h = jnp.maximum(messages @ W1 + b1, 0.0)
    m = h @ W2 + b2
    out = jax.ops.segment_sum(m, col, num_segments=x.shape[0])
    ones = jnp.ones((col.shape[0], 1), dtype=x.dtype)
    count = jax.ops.segment_sum(ones, col, num_segments=x.shape[0])
    count = jnp.maximum(count, 1.0)
    return out / count

if __name__ == "__main__":
    import jax
    _d = setup_inputs()
    print(jax.jit(kernel)(*tuple(_d.values())))

</pallas_src>

<mosaic_0001>
#map = affine_map<(d0, d1) -> (0)>
#map1 = affine_map<(d0, d1) -> (0, 0)>
module attributes {stable_mosaic.version = 14 : i64} {
  func.func @_sc_edge_kernel(%arg0: i32, %arg1: i32, %arg2: memref<320000xi32, #tpu.memory_space<hbm>>, %arg3: memref<320000x128xf32, #tpu.memory_space<hbm>>, %arg4: memref<10000x128xf32, #tpu.memory_space<hbm>>, %arg5: memref<10000x128xf32, #tpu.memory_space<hbm>>, %arg6: memref<80x128xf32, #tpu.memory_space<hbm>>, %arg7: memref<20224x128xf32, #tpu.memory_space<hbm>>, %arg8: memref<10000xi32, #tpu.memory_space<vmem>>, %arg9: memref<80xi32, #tpu.memory_space<vmem>>, %arg10: memref<80xi32, #tpu.memory_space<vmem>>, %arg11: memref<80x128xf32, #tpu.memory_space<vmem>>, %arg12: memref<80x128xf32, #tpu.memory_space<vmem>>, %arg13: memref<80x128xf32, #tpu.memory_space<vmem>>, %arg14: memref<10112x128xf32, #tpu.memory_space<vmem_shared>>, %arg15: memref<!tpu.dma_semaphore, #tpu.memory_space<semaphore_mem>>, %arg16: memref<!tpu.dma_semaphore, #tpu.memory_space<semaphore_mem>>, %arg17: memref<!tpu.dma_semaphore, #tpu.memory_space<semaphore_mem>>) attributes {dimension_semantics = [#tpu.dimension_semantics<core_parallel>, #tpu.dimension_semantics<subcore_parallel>], iteration_bounds = array<i64: 2, 16>, scalar_prefetch = 0 : i64, scratch_operands = 10 : i64, tpu.core_type = #tpu.core_type<sc_vector_subcore>, window_params = [{transform_indices = #map}, {transform_indices = #map1}, {transform_indices = #map1}, {transform_indices = #map1}, {transform_indices = #map1}, {transform_indices = #map1}]} {
    %mul3A = arith.constant 16 : i32
    %mul3A_0 = arith.muli %arg0, %mul3A : i32
    %add3A = arith.addi %mul3A_0, %arg1 : i32
    %mul3A_1 = arith.constant 632 : i32
    %mul3A_2 = arith.muli %arg1, %mul3A_1 : i32
    %mul3A_3 = arith.constant 10112 : i32
    %mul3A_4 = arith.muli %arg0, %mul3A_3 : i32
    %add3A_5 = arith.addi %mul3A_4, %mul3A_2 : i32
    %scan3A = arith.constant 0 : i32
    %scan3A_6 = arith.constant 0 : i32
    %scan3A_7 = arith.constant 7 : i32
    %scan3A_8 = arith.addi %scan3A_6, %scan3A_7 : i32
    %scan3A_9 = arith.constant 1 : i32
    %scan3A_10 = scf.for %scan3A_35 = %scan3A_6 to %scan3A_8 step %scan3A_9 iter_args(%scan3A_36 = %scan3A) -> (i32)  : i32 {
      %mul3A_37 = arith.constant 80 : i32
      %mul3A_38 = arith.muli %scan3A_35, %mul3A_37 : i32
      %add3A_39 = arith.addi %mul3A_2, %mul3A_38 : i32
      "tpu.region"() ({
        %run_scoped3A = tpu.sem_alloc : memref<!tpu.dma_semaphore, #tpu.memory_space<semaphore_mem>>
        %dma_start3A = arith.constant 0 : i32
        %dma_start3A_41 = tpu.memref_slice %arg14[%add3A_39, %dma_start3A] : memref<10112x128xf32, #tpu.memory_space<vmem_shared>> -> memref<80x128xf32, #tpu.memory_space<vmem_shared>>
        tpu.enqueue_dma source(%arg6 : memref<80x128xf32, #tpu.memory_space<hbm>>) target(%dma_start3A_41 : memref<80x128xf32, #tpu.memory_space<vmem_shared>>) target_semaphore(%run_scoped3A : memref<!tpu.dma_semaphore, #tpu.memory_space<semaphore_mem>>)
        %dma_wait3A = arith.constant 0 : i32
        %dma_wait3A_42 = tpu.memref_slice %arg14[%add3A_39, %dma_wait3A] : memref<10112x128xf32, #tpu.memory_space<vmem_shared>> -> memref<80x128xf32, #tpu.memory_space<vmem_shared>>
        tpu.wait_dma2 semaphore(%run_scoped3A : memref<!tpu.dma_semaphore, #tpu.memory_space<semaphore_mem>>) src(%arg6 : memref<80x128xf32, #tpu.memory_space<hbm>>) dst(%dma_wait3A_42 : memref<80x128xf32, #tpu.memory_space<vmem_shared>>)
        tpu.yield
      }) : () -> ()
      %scan3A_40 = arith.constant 0 : i32
      scf.yield %scan3A_40 : i32
    }
    %scan3A_11 = arith.constant 7 : i32
    %add3A_12 = arith.constant 560 : i32
    %add3A_13 = arith.addi %mul3A_2, %add3A_12 : i32
    "tpu.region"() ({
      %run_scoped3A = tpu.sem_alloc : memref<!tpu.dma_semaphore, #tpu.memory_space<semaphore_mem>>
      %dma_start3A = arith.constant 0 : i32
      %dma_start3A_35 = tpu.memref_slice %arg14[%add3A_13, %dma_start3A] : memref<10112x128xf32, #tpu.memory_space<vmem_shared>> -> memref<72x128xf32, #tpu.memory_space<vmem_shared>>
      %dma_start3A_36 = arith.constant 0 : i32
      %dma_start3A_37 = arith.constant 0 : i32
      %dma_start3A_38 = tpu.memref_slice %arg6[%dma_start3A_36, %dma_start3A_37] : memref<80x128xf32, #tpu.memory_space<hbm>> -> memref<72x128xf32, #tpu.memory_space<hbm>>
      tpu.enqueue_dma source(%dma_start3A_38 : memref<72x128xf32, #tpu.memory_space<hbm>>) target(%dma_start3A_35 : memref<72x128xf32, #tpu.memory_space<vmem_shared>>) target_semaphore(%run_scoped3A : memref<!tpu.dma_semaphore, #tpu.memory_space<semaphore_mem>>)
      %dma_wait3A = arith.constant 0 : i32
      %dma_wait3A_39 = tpu.memref_slice %arg14[%add3A_13, %dma_wait3A] : memref<10112x128xf32, #tpu.memory_space<vmem_shared>> -> memref<72x128xf32, #tpu.memory_space<vmem_shared>>
      %dma_wait3A_40 = arith.constant 0 : i32
      %dma_wait3A_41 = arith.constant 0 : i32
      %dma_wait3A_42 = tpu.memref_slice %arg6[%dma_wait3A_40, %dma_wait3A_41] : memref<80x128xf32, #tpu.memory_space<hbm>> -> memref<72x128xf32, #tpu.memory_space<hbm>>
      tpu.wait_dma2 semaphore(%run_scoped3A : memref<!tpu.dma_semaphore, #tpu.memory_space<semaphore_mem>>) src(%dma_wait3A_42 : memref<72x128xf32, #tpu.memory_space<hbm>>) dst(%dma_wait3A_39 : memref<72x128xf32, #tpu.memory_space<vmem_shared>>)
      tpu.yield
    }) : () -> ()
    %barrier3A = arith.constant 0 : index
    tpu.barrier barrier_id(%barrier3A)
    %mul3A_14 = arith.constant 10000 : i32
    %mul3A_15 = arith.muli %add3A, %mul3A_14 : i32
    "tpu.region"() ({
      %run_scoped3A = tpu.sem_alloc : memref<!tpu.dma_semaphore, #tpu.memory_space<semaphore_mem>>
      %dma_start3A = tpu.memref_slice %arg2[%mul3A_15] : memref<320000xi32, #tpu.memory_space<hbm>> -> memref<10000xi32, #tpu.memory_space<hbm>>
      %dma_start3A_35 = tpu.memref_slice %arg2[%mul3A_15] : memref<320000xi32, #tpu.memory_space<hbm>> -> memref<10000xi32, #tpu.memory_space<hbm>>
      tpu.enqueue_dma source(%dma_start3A_35 : memref<10000xi32, #tpu.memory_space<hbm>>) target(%arg8 : memref<10000xi32, #tpu.memory_space<vmem>>) target_semaphore(%run_scoped3A : memref<!tpu.dma_semaphore, #tpu.memory_space<semaphore_mem>>)
      %dma_wait3A = tpu.memref_slice %arg2[%mul3A_15] : memref<320000xi32, #tpu.memory_space<hbm>> -> memref<10000xi32, #tpu.memory_space<hbm>>
      %dma_wait3A_36 = tpu.memref_slice %arg2[%mul3A_15] : memref<320000xi32, #tpu.memory_space<hbm>> -> memref<10000xi32, #tpu.memory_space<hbm>>
      tpu.wait_dma2 semaphore(%run_scoped3A : memref<!tpu.dma_semaphore, #tpu.memory_space<semaphore_mem>>) src(%dma_wait3A_36 : memref<10000xi32, #tpu.memory_space<hbm>>) dst(%arg8 : memref<10000xi32, #tpu.memory_space<vmem>>)
      tpu.yield
    }) : () -> ()
    %scan3A_16 = arith.constant 0 : i32
    %scan3A_17 = arith.constant 0 : i32
    %scan3A_18 = arith.constant 125 : i32
    %scan3A_19 = arith.addi %scan3A_17, %scan3A_18 : i32
    %scan3A_20 = arith.constant 1 : i32
    %scan3A_21 = scf.for %scan3A_35 = %scan3A_17 to %scan3A_19 step %scan3A_20 iter_args(%scan3A_36 = %scan3A_16) -> (i32)  : i32 {
      %mul3A_37 = arith.constant 80 : i32
      %mul3A_38 = arith.muli %scan3A_35, %mul3A_37 : i32
      %add3A_39 = arith.constant 0 : i32
      %add3A_40 = arith.addi %mul3A_38, %add3A_39 : i32
      %get3A = arith.index_cast %add3A_40 : i32 to index
      %get3A_41 = tpu.vector_load %arg8[%get3A] {strides = array<i32>} : memref<10000xi32, #tpu.memory_space<vmem>>, vector<16xi32>,
      %get3A_42 = vector.shape_cast %get3A_41 : vector<16xi32> to vector<16xi32>
      %shift_right_logical3A = arith.constant 14 : i32
      %shift_right_logical3A_43 = vector.broadcast %shift_right_logical3A : i32 to vector<16xi32>
      %shift_right_logical3A_44 = arith.shrui %get3A_42, %shift_right_logical3A_43 : vector<16xi32>
      %swap3A = arith.constant 0 : index
      %swap3A_45 = tpu.vector_load %arg9[%swap3A] {strides = array<i32>} : memref<80xi32, #tpu.memory_space<vmem>>, vector<16xi32>,
      %swap3A_46 = vector.shape_cast %swap3A_45 : vector<16xi32> to vector<16xi32>
      %swap3A_47 = vector.shape_cast %shift_right_logical3A_44 : vector<16xi32> to vector<16xi32>
      tpu.vector_store %arg9[%swap3A], %swap3A_47 {strides = array<i32>} : memref<80xi32, #tpu.memory_space<vmem>>, vector<16xi32>,
      %and3A = arith.constant 16383 : i32
      %and3A_48 = vector.broadcast %and3A : i32 to vector<16xi32>
      %and3A_49 = arith.andi %get3A_42, %and3A_48 : vector<16xi32>
      %swap3A_50 = arith.constant 0 : index
      %swap3A_51 = tpu.vector_load %arg10[%swap3A_50] {strides = array<i32>} : memref<80xi32, #tpu.memory_space<vmem>>, vector<16xi32>,
      %swap3A_52 = vector.shape_cast %swap3A_51 : vector<16xi32> to vector<16xi32>
      %swap3A_53 = vector.shape_cast %and3A_49 : vector<16xi32> to vector<16xi32>
      tpu.vector_store %arg10[%swap3A_50], %swap3A_53 {strides = array<i32>} : memref<80xi32, #tpu.memory_space<vmem>>, vector<16xi32>,
      %add3A_54 = arith.constant 16 : i32
      %add3A_55 = arith.addi %mul3A_38, %add3A_54 : i32
      %get3A_56 = arith.index_cast %add3A_55 : i32 to index
      %get3A_57 = tpu.vector_load %arg8[%get3A_56] {strides = array<i32>} : memref<10000xi32, #tpu.memory_space<vmem>>, vector<16xi32>,
      %get3A_58 = vector.shape_cast %get3A_57 : vector<16xi32> to vector<16xi32>
      %shift_right_logical3A_59 = arith.constant 14 : i32
      %shift_right_logical3A_60 = vector.broadcast %shift_right_logical3A_59 : i32 to vector<16xi32>
      %shift_right_logical3A_61 = arith.shrui %get3A_58, %shift_right_logical3A_60 : vector<16xi32>
      %swap3A_62 = arith.constant 16 : index
      %swap3A_63 = tpu.vector_load %arg9[%swap3A_62] {strides = array<i32>} : memref<80xi32, #tpu.memory_space<vmem>>, vector<16xi32>,
      %swap3A_64 = vector.shape_cast %swap3A_63 : vector<16xi32> to vector<16xi32>
      %swap3A_65 = vector.shape_cast %shift_right_logical3A_61 : vector<16xi32> to vector<16xi32>
      tpu.vector_store %arg9[%swap3A_62], %swap3A_65 {strides = array<i32>} : memref<80xi32, #tpu.memory_space<vmem>>, vector<16xi32>,
      %and3A_66 = arith.constant 16383 : i32
      %and3A_67 = vector.broadcast %and3A_66 : i32 to vector<16xi32>
      %and3A_68 = arith.andi %get3A_58, %and3A_67 : vector<16xi32>
      %swap3A_69 = arith.constant 16 : index
      %swap3A_70 = tpu.vector_load %arg10[%swap3A_69] {strides = array<i32>} : memref<80xi32, #tpu.memory_space<vmem>>, vector<16xi32>,
      %swap3A_71 = vector.shape_cast %swap3A_70 : vector<16xi32> to vector<16xi32>
      %swap3A_72 = vector.shape_cast %and3A_68 : vector<16xi32> to vector<16xi32>
      tpu.vector_store %arg10[%swap3A_69], %swap3A_72 {strides = array<i32>} : memref<80xi32, #tpu.memory_space<vmem>>, vector<16xi32>,
      %add3A_73 = arith.constant 32 : i32
      %add3A_74 = arith.addi %mul3A_38, %add3A_73 : i32
      %get3A_75 = arith.index_cast %add3A_74 : i32 to index
      %get3A_76 = tpu.vector_load %arg8[%get3A_75] {strides = array<i32>} : memref<10000xi32, #tpu.memory_space<vmem>>, vector<16xi32>,
      %get3A_77 = vector.shape_cast %get3A_76 : vector<16xi32> to vector<16xi32>
      %shift_right_logical3A_78 = arith.constant 14 : i32
      %shift_right_logical3A_79 = vector.broadcast %shift_right_logical3A_78 : i32 to vector<16xi32>
      %shift_right_logical3A_80 = arith.shrui %get3A_77, %shift_right_logical3A_79 : vector<16xi32>
      %swap3A_81 = arith.constant 32 : index
      %swap3A_82 = tpu.vector_load %arg9[%swap3A_81] {strides = array<i32>} : memref<80xi32, #tpu.memory_space<vmem>>, vector<16xi32>,
      %swap3A_83 = vector.shape_cast %swap3A_82 : vector<16xi32> to vector<16xi32>
      %swap3A_84 = vector.shape_cast %shift_right_logical3A_80 : vector<16xi32> to vector<16xi32>
      tpu.vector_store %arg9[%swap3A_81], %swap3A_84 {strides = array<i32>} : memref<80xi32, #tpu.memory_space<vmem>>, vector<16xi32>,
      %and3A_85 = arith.constant 16383 : i32
      %and3A_86 = vector.broadcast %and3A_85 : i32 to vector<16xi32>
      %and3A_87 = arith.andi %get3A_77, %and3A_86 : vector<16xi32>
      %swap3A_88 = arith.constant 32 : index
      %swap3A_89 = tpu.vector_load %arg10[%swap3A_88] {strides = array<i32>} : memref<80xi32, #tpu.memory_space<vmem>>, vector<16xi32>,
      %swap3A_90 = vector.shape_cast %swap3A_89 : vector<16xi32> to vector<16xi32>
      %swap3A_91 = vector.shape_cast %and3A_87 : vector<16xi32> to vector<16xi32>
      tpu.vector_store %arg10[%swap3A_88], %swap3A_91 {strides = array<i32>} : memref<80xi32, #tpu.memory_space<vmem>>, vector<16xi32>,
      %add3A_92 = arith.constant 48 : i32
      %add3A_93 = arith.addi %mul3A_38, %add3A_92 : i32
      %get3A_94 = arith.index_cast %add3A_93 : i32 to index
      %get3A_95 = tpu.vector_load %arg8[%get3A_94] {strides = array<i32>} : memref<10000xi32, #tpu.memory_space<vmem>>, vector<16xi32>,
      %get3A_96 = vector.shape_cast %get3A_95 : vector<16xi32> to vector<16xi32>
      %shift_right_logical3A_97 = arith.constant 14 : i32
      %shift_right_logical3A_98 = vector.broadcast %shift_right_logical3A_97 : i32 to vector<16xi32>
      %shift_right_logical3A_99 = arith.shrui %get3A_96, %shift_right_logical3A_98 : vector<16xi32>
      %swap3A_100 = arith.constant 48 : index
      %swap3A_101 = tpu.vector_load %arg9[%swap3A_100] {strides = array<i32>} : memref<80xi32, #tpu.memory_space<vmem>>, vector<16xi32>,
      %swap3A_102 = vector.shape_cast %swap3A_101 : vector<16xi32> to vector<16xi32>
      %swap3A_103 = vector.shape_cast %shift_right_logical3A_99 : vector<16xi32> to vector<16xi32>
      tpu.vector_store %arg9[%swap3A_100], %swap3A_103 {strides = array<i32>} : memref<80xi32, #tpu.memory_space<vmem>>, vector<16xi32>,
      %and3A_104 = arith.constant 16383 : i32
      %and3A_105 = vector.broadcast %and3A_104 : i32 to vector<16xi32>
      %and3A_106 = arith.andi %get3A_96, %and3A_105 : vector<16xi32>
      %swap3A_107 = arith.constant 48 : index
      %swap3A_108 = tpu.vector_load %arg10[%swap3A_107] {strides = array<i32>} : memref<80xi32, #tpu.memory_space<vmem>>, vector<16xi32>,
      %swap3A_109 = vector.shape_cast %swap3A_108 : vector<16xi32> to vector<16xi32>
      %swap3A_110 = vector.shape_cast %and3A_106 : vector<16xi32> to vector<16xi32>
      tpu.vector_store %arg10[%swap3A_107], %swap3A_110 {strides = array<i32>} : memref<80xi32, #tpu.memory_space<vmem>>, vector<16xi32>,
      %add3A_111 = arith.constant 64 : i32
      %add3A_112 = arith.addi %mul3A_38, %add3A_111 : i32
      %get3A_113 = arith.index_cast %add3A_112 : i32 to index
      %get3A_114 = tpu.vector_load %arg8[%get3A_113] {strides = array<i32>} : memref<10000xi32, #tpu.memory_space<vmem>>, vector<16xi32>,
      %get3A_115 = vector.shape_cast %get3A_114 : vector<16xi32> to vector<16xi32>
      %shift_right_logical3A_116 = arith.constant 14 : i32
      %shift_right_logical3A_117 = vector.broadcast %shift_right_logical3A_116 : i32 to vector<16xi32>
      %shift_right_logical3A_118 = arith.shrui %get3A_115, %shift_right_logical3A_117 : vector<16xi32>
      %swap3A_119 = arith.constant 64 : index
      %swap3A_120 = tpu.vector_load %arg9[%swap3A_119] {strides = array<i32>} : memref<80xi32, #tpu.memory_space<vmem>>, vector<16xi32>,
      %swap3A_121 = vector.shape_cast %swap3A_120 : vector<16xi32> to vector<16xi32>
      %swap3A_122 = vector.shape_cast %shift_right_logical3A_118 : vector<16xi32> to vector<16xi32>
      tpu.vector_store %arg9[%swap3A_119], %swap3A_122 {strides = array<i32>} : memref<80xi32, #tpu.memory_space<vmem>>, vector<16xi32>,
      %and3A_123 = arith.constant 16383 : i32
      %and3A_124 = vector.broadcast %and3A_123 : i32 to vector<16xi32>
      %and3A_125 = arith.andi %get3A_115, %and3A_124 : vector<16xi32>
      %swap3A_126 = arith.constant 64 : index
      %swap3A_127 = tpu.vector_load %arg10[%swap3A_126] {strides = array<i32>} : memref<80xi32, #tpu.memory_space<vmem>>, vector<16xi32>,
      %swap3A_128 = vector.shape_cast %swap3A_127 : vector<16xi32> to vector<16xi32>
      %swap3A_129 = vector.shape_cast %and3A_125 : vector<16xi32> to vector<16xi32>
      tpu.vector_store %arg10[%swap3A_126], %swap3A_129 {strides = array<i32>} : memref<80xi32, #tpu.memory_space<vmem>>, vector<16xi32>,
      %dma_start3A = arith.constant 0 : i32
      %dma_start3A_130 = arith.constant 0 : i32
      %dma_start3A_131 = tpu.memref_slice %arg4[%dma_start3A, %dma_start3A_130] : memref<10000x128xf32, #tpu.memory_space<hbm>> -> memref<10000x128xf32, #tpu.memory_space<hbm>>
      tpu.enqueue_indirect_dma source(%dma_start3A_131 : memref<10000x128xf32, #tpu.memory_space<hbm>>) target(%arg11 : memref<80x128xf32, #tpu.memory_space<vmem>>) offsets(%arg9 : memref<80xi32, #tpu.memory_space<vmem>>) semaphore(%arg15 : memref<!tpu.dma_semaphore, #tpu.memory_space<semaphore_mem>>)
      %dma_start3A_132 = arith.constant 0 : i32
      %dma_start3A_133 = arith.constant 0 : i32
      %dma_start3A_134 = tpu.memref_slice %arg5[%dma_start3A_132, %dma_start3A_133] : memref<10000x128xf32, #tpu.memory_space<hbm>> -> memref<10000x128xf32, #tpu.memory_space<hbm>>
      tpu.enqueue_indirect_dma source(%dma_start3A_134 : memref<10000x128xf32, #tpu.memory_space<hbm>>) target(%arg12 : memref<80x128xf32, #tpu.memory_space<vmem>>) offsets(%arg10 : memref<80xi32, #tpu.memory_space<vmem>>) semaphore(%arg16 : memref<!tpu.dma_semaphore, #tpu.memory_space<semaphore_mem>>)
      %mul3A_135 = arith.constant 10000 : i32
      %mul3A_136 = arith.muli %add3A, %mul3A_135 : i32
      %add3A_137 = arith.addi %mul3A_136, %mul3A_38 : i32
      %dma_start3A_138 = arith.constant 0 : i32
      %dma_start3A_139 = tpu.memref_slice %arg3[%add3A_137, %dma_start3A_138] : memref<320000x128xf32, #tpu.memory_space<hbm>> -> memref<80x128xf32, #tpu.memory_space<hbm>>
      %dma_start3A_140 = arith.constant 0 : i32
      %dma_start3A_141 = tpu.memref_slice %arg3[%add3A_137, %dma_start3A_140] : memref<320000x128xf32, #tpu.memory_space<hbm>> -> memref<80x128xf32, #tpu.memory_space<hbm>>
      tpu.enqueue_dma source(%dma_start3A_141 : memref<80x128xf32, #tpu.memory_space<hbm>>) target(%arg13 : memref<80x128xf32, #tpu.memory_space<vmem>>) target_semaphore(%arg17 : memref<!tpu.dma_semaphore, #tpu.memory_space<semaphore_mem>>)
      %dma_wait3A = arith.constant 0 : i32
      %dma_wait3A_142 = arith.constant 0 : i32
      %dma_wait3A_143 = tpu.memref_slice %arg4[%dma_wait3A, %dma_wait3A_142] : memref<10000x128xf32, #tpu.memory_space<hbm>> -> memref<10000x128xf32, #tpu.memory_space<hbm>>
      tpu.wait_indirect_dma semaphore(%arg15 : memref<!tpu.dma_semaphore, #tpu.memory_space<semaphore_mem>>) src(%dma_wait3A_143 : memref<10000x128xf32, #tpu.memory_space<hbm>>) dst(%arg11 : memref<80x128xf32, #tpu.memory_space<vmem>>)
      %dma_wait3A_144 = arith.constant 0 : i32
      %dma_wait3A_145 = arith.constant 0 : i32
      %dma_wait3A_146 = tpu.memref_slice %arg5[%dma_wait3A_144, %dma_wait3A_145] : memref<10000x128xf32, #tpu.memory_space<hbm>> -> memref<10000x128xf32, #tpu.memory_space<hbm>>
      tpu.wait_indirect_dma semaphore(%arg16 : memref<!tpu.dma_semaphore, #tpu.memory_space<semaphore_mem>>) src(%dma_wait3A_146 : memref<10000x128xf32, #tpu.memory_space<hbm>>) dst(%arg12 : memref<80x128xf32, #tpu.memory_space<vmem>>)
      %dma_wait3A_147 = arith.constant 0 : i32
      %dma_wait3A_148 = tpu.memref_slice %arg3[%add3A_137, %dma_wait3A_147] : memref<320000x128xf32, #tpu.memory_space<hbm>> -> memref<80x128xf32, #tpu.memory_space<hbm>>
      %dma_wait3A_149 = arith.constant 0 : i32
      %dma_wait3A_150 = tpu.memref_slice %arg3[%add3A_137, %dma_wait3A_149] : memref<320000x128xf32, #tpu.memory_space<hbm>> -> memref<80x128xf32, #tpu.memory_space<hbm>>
      tpu.wait_dma2 semaphore(%arg17 : memref<!tpu.dma_semaphore, #tpu.memory_space<semaphore_mem>>) src(%dma_wait3A_150 : memref<80x128xf32, #tpu.memory_space<hbm>>) dst(%arg13 : memref<80x128xf32, #tpu.memory_space<vmem>>)
      %scan3A_151 = arith.constant 0 : i32
      %scan3A_152 = arith.constant 0 : i32
      %scan3A_153 = arith.constant 80 : i32
      %scan3A_154 = arith.addi %scan3A_152, %scan3A_153 : i32
      %scan3A_155 = arith.constant 1 : i32
      %scan3A_156 = scf.for %scan3A_159 = %scan3A_152 to %scan3A_154 step %scan3A_155 iter_args(%scan3A_160 = %scan3A_151) -> (i32)  : i32 {
        %get3A_161 = arith.index_cast %scan3A_159 : i32 to index
        %get3A_162 = arith.constant 0 : index
        %get3A_163 = tpu.vector_load %arg11[%get3A_161, %get3A_162] {strides = array<i32>} : memref<80x128xf32, #tpu.memory_space<vmem>>, vector<1x16xf32>,
        %get3A_164 = vector.shape_cast %get3A_163 : vector<1x16xf32> to vector<16xf32>
        %get3A_165 = arith.index_cast %scan3A_159 : i32 to index
        %get3A_166 = arith.constant 0 : index
        %get3A_167 = tpu.vector_load %arg12[%get3A_165, %get3A_166] {strides = array<i32>} : memref<80x128xf32, #tpu.memory_space<vmem>>, vector<1x16xf32>,
        %get3A_168 = vector.shape_cast %get3A_167 : vector<1x16xf32> to vector<16xf32>
        %add3A_169 = arith.addf %get3A_164, %get3A_168 : vector<16xf32>
        %get3A_170 = arith.index_cast %scan3A_159 : i32 to index
        %get3A_171 = arith.constant 0 : index
        %get3A_172 = tpu.vector_load %arg13[%get3A_170, %get3A_171] {strides = array<i32>} : memref<80x128xf32, #tpu.memory_space<vmem>>, vector<1x16xf32>,
        %get3A_173 = vector.shape_cast %get3A_172 : vector<1x16xf32> to vector<16xf32>
        %add3A_174 = arith.addf %add3A_169, %get3A_173 : vector<16xf32>
        %max3A = arith.constant 0.000000e+00 : f32
        %max3A_175 = vector.broadcast %max3A : f32 to vector<16xf32>
        %max3A_176 = arith.maximumf %add3A_174, %max3A_175 : vector<16xf32>
        %swap3A_177 = arith.index_cast %scan3A_159 : i32 to index
        %swap3A_178 = arith.constant 0 : index
        %swap3A_179 = tpu.vector_load %arg13[%swap3A_177, %swap3A_178] {strides = array<i32>} : memref<80x128xf32, #tpu.memory_space<vmem>>, vector<1x16xf32>,
        %swap3A_180 = vector.shape_cast %swap3A_179 : vector<1x16xf32> to vector<16xf32>
        %swap3A_181 = vector.shape_cast %max3A_176 : vector<16xf32> to vector<1x16xf32>
        tpu.vector_store %arg13[%swap3A_177, %swap3A_178], %swap3A_181 {strides = array<i32>} : memref<80x128xf32, #tpu.memory_space<vmem>>, vector<1x16xf32>,
        %get3A_182 = arith.index_cast %scan3A_159 : i32 to index
        %get3A_183 = arith.constant 16 : index
        %get3A_184 = tpu.vector_load %arg11[%get3A_182, %get3A_183] {strides = array<i32>} : memref<80x128xf32, #tpu.memory_space<vmem>>, vector<1x16xf32>,
        %get3A_185 = vector.shape_cast %get3A_184 : vector<1x16xf32> to vector<16xf32>
        %get3A_186 = arith.index_cast %scan3A_159 : i32 to index
        %get3A_187 = arith.constant 16 : index
        %get3A_188 = tpu.vector_load %arg12[%get3A_186, %get3A_187] {strides = array<i32>} : memref<80x128xf32, #tpu.memory_space<vmem>>, vector<1x16xf32>,
        %get3A_189 = vector.shape_cast %get3A_188 : vector<1x16xf32> to vector<16xf32>
        %add3A_190 = arith.addf %get3A_185, %get3A_189 : vector<16xf32>
        %get3A_191 = arith.index_cast %scan3A_159 : i32 to index
        %get3A_192 = arith.constant 16 : index
        %get3A_193 = tpu.vector_load %arg13[%get3A_191, %get3A_192] {strides = array<i32>} : memref<80x128xf32, #tpu.memory_space<vmem>>, vector<1x16xf32>,
        %get3A_194 = vector.shape_cast %get3A_193 : vector<1x16xf32> to vector<16xf32>
        %add3A_195 = arith.addf %add3A_190, %get3A_194 : vector<16xf32>
        %max3A_196 = arith.constant 0.000000e+00 : f32
        %max3A_197 = vector.broadcast %max3A_196 : f32 to vector<16xf32>
        %max3A_198 = arith.maximumf %add3A_195, %max3A_197 : vector<16xf32>
        %swap3A_199 = arith.index_cast %scan3A_159 : i32 to index
        %swap3A_200 = arith.constant 16 : index
        %swap3A_201 = tpu.vector_load %arg13[%swap3A_199, %swap3A_200] {strides = array<i32>} : memref<80x128xf32, #tpu.memory_space<vmem>>, vector<1x16xf32>,
        %swap3A_202 = vector.shape_cast %swap3A_201 : vector<1x16xf32> to vector<16xf32>
        %swap3A_203 = vector.shape_cast %max3A_198 : vector<16xf32> to vector<1x16xf32>
        tpu.vector_store %arg13[%swap3A_199, %swap3A_200], %swap3A_203 {strides = array<i32>} : memref<80x128xf32, #tpu.memory_space<vmem>>, vector<1x16xf32>,
        %get3A_204 = arith.index_cast %scan3A_159 : i32 to index
        %get3A_205 = arith.constant 32 : index
        %get3A_206 = tpu.vector_load %arg11[%get3A_204, %get3A_205] {strides = array<i32>} : memref<80x128xf32, #tpu.memory_space<vmem>>, vector<1x16xf32>,
        %get3A_207 = vector.shape_cast %get3A_206 : vector<1x16xf32> to vector<16xf32>
        %get3A_208 = arith.index_cast %scan3A_159 : i32 to index
        %get3A_209 = arith.constant 32 : index
        %get3A_210 = tpu.vector_load %arg12[%get3A_208, %get3A_209] {strides = array<i32>} : memref<80x128xf32, #tpu.memory_space<vmem>>, vector<1x16xf32>,
        %get3A_211 = vector.shape_cast %get3A_210 : vector<1x16xf32> to vector<16xf32>
        %add3A_212 = arith.addf %get3A_207, %get3A_211 : vector<16xf32>
        %get3A_213 = arith.index_cast %scan3A_159 : i32 to index
        %get3A_214 = arith.constant 32 : index
        %get3A_215 = tpu.vector_load %arg13[%get3A_213, %get3A_214] {strides = array<i32>} : memref<80x128xf32, #tpu.memory_space<vmem>>, vector<1x16xf32>,
        %get3A_216 = vector.shape_cast %get3A_215 : vector<1x16xf32> to vector<16xf32>
        %add3A_217 = arith.addf %add3A_212, %get3A_216 : vector<16xf32>
        %max3A_218 = arith.constant 0.000000e+00 : f32
        %max3A_219 = vector.broadcast %max3A_218 : f32 to vector<16xf32>
        %max3A_220 = arith.maximumf %add3A_217, %max3A_219 : vector<16xf32>
        %swap3A_221 = arith.index_cast %scan3A_159 : i32 to index
        %swap3A_222 = arith.constant 32 : index
        %swap3A_223 = tpu.vector_load %arg13[%swap3A_221, %swap3A_222] {strides = array<i32>} : memref<80x128xf32, #tpu.memory_space<vmem>>, vector<1x16xf32>,
        %swap3A_224 = vector.shape_cast %swap3A_223 : vector<1x16xf32> to vector<16xf32>
        %swap3A_225 = vector.shape_cast %max3A_220 : vector<16xf32> to vector<1x16xf32>
        tpu.vector_store %arg13[%swap3A_221, %swap3A_222], %swap3A_225 {strides = array<i32>} : memref<80x128xf32, #tpu.memory_space<vmem>>, vector<1x16xf32>,
        %get3A_226 = arith.index_cast %scan3A_159 : i32 to index
        %get3A_227 = arith.constant 48 : index
        %get3A_228 = tpu.vector_load %arg11[%get3A_226, %get3A_227] {strides = array<i32>} : memref<80x128xf32, #tpu.memory_space<vmem>>, vector<1x16xf32>,
        %get3A_229 = vector.shape_cast %get3A_228 : vector<1x16xf32> to vector<16xf32>
        %get3A_230 = arith.index_cast %scan3A_159 : i32 to index
        %get3A_231 = arith.constant 48 : index
        %get3A_232 = tpu.vector_load %arg12[%get3A_230, %get3A_231] {strides = array<i32>} : memref<80x128xf32, #tpu.memory_space<vmem>>, vector<1x16xf32>,
        %get3A_233 = vector.shape_cast %get3A_232 : vector<1x16xf32> to vector<16xf32>
        %add3A_234 = arith.addf %get3A_229, %get3A_233 : vector<16xf32>
        %get3A_235 = arith.index_cast %scan3A_159 : i32 to index
        %get3A_236 = arith.constant 48 : index
        %get3A_237 = tpu.vector_load %arg13[%get3A_235, %get3A_236] {strides = array<i32>} : memref<80x128xf32, #tpu.memory_space<vmem>>, vector<1x16xf32>,
        %get3A_238 = vector.shape_cast %get3A_237 : vector<1x16xf32> to vector<16xf32>
        %add3A_239 = arith.addf %add3A_234, %get3A_238 : vector<16xf32>
        %max3A_240 = arith.constant 0.000000e+00 : f32
        %max3A_241 = vector.broadcast %max3A_240 : f32 to vector<16xf32>
        %max3A_242 = arith.maximumf %add3A_239, %max3A_241 : vector<16xf32>
        %swap3A_243 = arith.index_cast %scan3A_159 : i32 to index
        %swap3A_244 = arith.constant 48 : index
        %swap3A_245 = tpu.vector_load %arg13[%swap3A_243, %swap3A_244] {strides = array<i32>} : memref<80x128xf32, #tpu.memory_space<vmem>>, vector<1x16xf32>,
        %swap3A_246 = vector.shape_cast %swap3A_245 : vector<1x16xf32> to vector<16xf32>
        %swap3A_247 = vector.shape_cast %max3A_242 : vector<16xf32> to vector<1x16xf32>
        tpu.vector_store %arg13[%swap3A_243, %swap3A_244], %swap3A_247 {strides = array<i32>} : memref<80x128xf32, #tpu.memory_space<vmem>>, vector<1x16xf32>,
        %get3A_248 = arith.index_cast %scan3A_159 : i32 to index
        %get3A_249 = arith.constant 64 : index
        %get3A_250 = tpu.vector_load %arg11[%get3A_248, %get3A_249] {strides = array<i32>} : memref<80x128xf32, #tpu.memory_space<vmem>>, vector<1x16xf32>,
        %get3A_251 = vector.shape_cast %get3A_250 : vector<1x16xf32> to vector<16xf32>
        %get3A_252 = arith.index_cast %scan3A_159 : i32 to index
        %get3A_253 = arith.constant 64 : index
        %get3A_254 = tpu.vector_load %arg12[%get3A_252, %get3A_253] {strides = array<i32>} : memref<80x128xf32, #tpu.memory_space<vmem>>, vector<1x16xf32>,
        %get3A_255 = vector.shape_cast %get3A_254 : vector<1x16xf32> to vector<16xf32>
        %add3A_256 = arith.addf %get3A_251, %get3A_255 : vector<16xf32>
        %get3A_257 = arith.index_cast %scan3A_159 : i32 to index
        %get3A_258 = arith.constant 64 : index
        %get3A_259 = tpu.vector_load %arg13[%get3A_257, %get3A_258] {strides = array<i32>} : memref<80x128xf32, #tpu.memory_space<vmem>>, vector<1x16xf32>,
        %get3A_260 = vector.shape_cast %get3A_259 : vector<1x16xf32> to vector<16xf32>
        %add3A_261 = arith.addf %add3A_256, %get3A_260 : vector<16xf32>
        %max3A_262 = arith.constant 0.000000e+00 : f32
        %max3A_263 = vector.broadcast %max3A_262 : f32 to vector<16xf32>
        %max3A_264 = arith.maximumf %add3A_261, %max3A_263 : vector<16xf32>
        %swap3A_265 = arith.index_cast %scan3A_159 : i32 to index
        %swap3A_266 = arith.constant 64 : index
        %swap3A_267 = tpu.vector_load %arg13[%swap3A_265, %swap3A_266] {strides = array<i32>} : memref<80x128xf32, #tpu.memory_space<vmem>>, vector<1x16xf32>,
        %swap3A_268 = vector.shape_cast %swap3A_267 : vector<1x16xf32> to vector<16xf32>
        %swap3A_269 = vector.shape_cast %max3A_264 : vector<16xf32> to vector<1x16xf32>
        tpu.vector_store %arg13[%swap3A_265, %swap3A_266], %swap3A_269 {strides = array<i32>} : memref<80x128xf32, #tpu.memory_space<vmem>>, vector<1x16xf32>,
        %get3A_270 = arith.index_cast %scan3A_159 : i32 to index
        %get3A_271 = arith.constant 80 : index
        %get3A_272 = tpu.vector_load %arg11[%get3A_270, %get3A_271] {strides = array<i32>} : memref<80x128xf32, #tpu.memory_space<vmem>>, vector<1x16xf32>,
        %get3A_273 = vector.shape_cast %get3A_272 : vector<1x16xf32> to vector<16xf32>
        %get3A_274 = arith.index_cast %scan3A_159 : i32 to index
        %get3A_275 = arith.constant 80 : index
        %get3A_276 = tpu.vector_load %arg12[%get3A_274, %get3A_275] {strides = array<i32>} : memref<80x128xf32, #tpu.memory_space<vmem>>, vector<1x16xf32>,
        %get3A_277 = vector.shape_cast %get3A_276 : vector<1x16xf32> to vector<16xf32>
        %add3A_278 = arith.addf %get3A_273, %get3A_277 : vector<16xf32>
        %get3A_279 = arith.index_cast %scan3A_159 : i32 to index
        %get3A_280 = arith.constant 80 : index
        %get3A_281 = tpu.vector_load %arg13[%get3A_279, %get3A_280] {strides = array<i32>} : memref<80x128xf32, #tpu.memory_space<vmem>>, vector<1x16xf32>,
        %get3A_282 = vector.shape_cast %get3A_281 : vector<1x16xf32> to vector<16xf32>
        %add3A_283 = arith.addf %add3A_278, %get3A_282 : vector<16xf32>
        %max3A_284 = arith.constant 0.000000e+00 : f32
        %max3A_285 = vector.broadcast %max3A_284 : f32 to vector<16xf32>
        %max3A_286 = arith.maximumf %add3A_283, %max3A_285 : vector<16xf32>
        %swap3A_287 = arith.index_cast %scan3A_159 : i32 to index
        %swap3A_288 = arith.constant 80 : index
        %swap3A_289 = tpu.vector_load %arg13[%swap3A_287, %swap3A_288] {strides = array<i32>} : memref<80x128xf32, #tpu.memory_space<vmem>>, vector<1x16xf32>,
        %swap3A_290 = vector.shape_cast %swap3A_289 : vector<1x16xf32> to vector<16xf32>
        %swap3A_291 = vector.shape_cast %max3A_286 : vector<16xf32> to vector<1x16xf32>
        tpu.vector_store %arg13[%swap3A_287, %swap3A_288], %swap3A_291 {strides = array<i32>} : memref<80x128xf32, #tpu.memory_space<vmem>>, vector<1x16xf32>,
        %get3A_292 = arith.index_cast %scan3A_159 : i32 to index
        %get3A_293 = arith.constant 96 : index
        %get3A_294 = tpu.vector_load %arg11[%get3A_292, %get3A_293] {strides = array<i32>} : memref<80x128xf32, #tpu.memory_space<vmem>>, vector<1x16xf32>,
        %get3A_295 = vector.shape_cast %get3A_294 : vector<1x16xf32> to vector<16xf32>
        %get3A_296 = arith.index_cast %scan3A_159 : i32 to index
        %get3A_297 = arith.constant 96 : index
        %get3A_298 = tpu.vector_load %arg12[%get3A_296, %get3A_297] {strides = array<i32>} : memref<80x128xf32, #tpu.memory_space<vmem>>, vector<1x16xf32>,
        %get3A_299 = vector.shape_cast %get3A_298 : vector<1x16xf32> to vector<16xf32>
        %add3A_300 = arith.addf %get3A_295, %get3A_299 : vector<16xf32>
        %get3A_301 = arith.index_cast %scan3A_159 : i32 to index
        %get3A_302 = arith.constant 96 : index
        %get3A_303 = tpu.vector_load %arg13[%get3A_301, %get3A_302] {strides = array<i32>} : memref<80x128xf32, #tpu.memory_space<vmem>>, vector<1x16xf32>,
        %get3A_304 = vector.shape_cast %get3A_303 : vector<1x16xf32> to vector<16xf32>
        %add3A_305 = arith.addf %add3A_300, %get3A_304 : vector<16xf32>
        %max3A_306 = arith.constant 0.000000e+00 : f32
        %max3A_307 = vector.broadcast %max3A_306 : f32 to vector<16xf32>
        %max3A_308 = arith.maximumf %add3A_305, %max3A_307 : vector<16xf32>
        %swap3A_309 = arith.index_cast %scan3A_159 : i32 to index
        %swap3A_310 = arith.constant 96 : index
        %swap3A_311 = tpu.vector_load %arg13[%swap3A_309, %swap3A_310] {strides = array<i32>} : memref<80x128xf32, #tpu.memory_space<vmem>>, vector<1x16xf32>,
        %swap3A_312 = vector.shape_cast %swap3A_311 : vector<1x16xf32> to vector<16xf32>
        %swap3A_313 = vector.shape_cast %max3A_308 : vector<16xf32> to vector<1x16xf32>
        tpu.vector_store %arg13[%swap3A_309, %swap3A_310], %swap3A_313 {strides = array<i32>} : memref<80x128xf32, #tpu.memory_space<vmem>>, vector<1x16xf32>,
        %get3A_314 = arith.index_cast %scan3A_159 : i32 to index
        %get3A_315 = arith.constant 112 : index
        %get3A_316 = tpu.vector_load %arg11[%get3A_314, %get3A_315] {strides = array<i32>} : memref<80x128xf32, #tpu.memory_space<vmem>>, vector<1x16xf32>,
        %get3A_317 = vector.shape_cast %get3A_316 : vector<1x16xf32> to vector<16xf32>
        %get3A_318 = arith.index_cast %scan3A_159 : i32 to index
        %get3A_319 = arith.constant 112 : index
        %get3A_320 = tpu.vector_load %arg12[%get3A_318, %get3A_319] {strides = array<i32>} : memref<80x128xf32, #tpu.memory_space<vmem>>, vector<1x16xf32>,
        %get3A_321 = vector.shape_cast %get3A_320 : vector<1x16xf32> to vector<16xf32>
        %add3A_322 = arith.addf %get3A_317, %get3A_321 : vector<16xf32>
        %get3A_323 = arith.index_cast %scan3A_159 : i32 to index
        %get3A_324 = arith.constant 112 : index
        %get3A_325 = tpu.vector_load %arg13[%get3A_323, %get3A_324] {strides = array<i32>} : memref<80x128xf32, #tpu.memory_space<vmem>>, vector<1x16xf32>,
        %get3A_326 = vector.shape_cast %get3A_325 : vector<1x16xf32> to vector<16xf32>
        %add3A_327 = arith.addf %add3A_322, %get3A_326 : vector<16xf32>
        %max3A_328 = arith.constant 0.000000e+00 : f32
        %max3A_329 = vector.broadcast %max3A_328 : f32 to vector<16xf32>
        %max3A_330 = arith.maximumf %add3A_327, %max3A_329 : vector<16xf32>
        %swap3A_331 = arith.index_cast %scan3A_159 : i32 to index
        %swap3A_332 = arith.constant 112 : index
        %swap3A_333 = tpu.vector_load %arg13[%swap3A_331, %swap3A_332] {strides = array<i32>} : memref<80x128xf32, #tpu.memory_space<vmem>>, vector<1x16xf32>,
        %swap3A_334 = vector.shape_cast %swap3A_333 : vector<1x16xf32> to vector<16xf32>
        %swap3A_335 = vector.shape_cast %max3A_330 : vector<16xf32> to vector<1x16xf32>
        tpu.vector_store %arg13[%swap3A_331, %swap3A_332], %swap3A_335 {strides = array<i32>} : memref<80x128xf32, #tpu.memory_space<vmem>>, vector<1x16xf32>,
        %scan3A_336 = arith.constant 0 : i32
        scf.yield %scan3A_336 : i32
      }
      %scan3A_157 = arith.constant 80 : i32
      "tpu.region"() ({
        %run_scoped3A = tpu.sem_alloc : memref<!tpu.dma_semaphore, #tpu.memory_space<semaphore_mem>>
        %dma_start3A_159 = arith.constant 0 : i32
        %dma_start3A_160 = arith.constant 0 : i32
        %dma_start3A_161 = tpu.memref_slice %arg14[%dma_start3A_159, %dma_start3A_160] : memref<10112x128xf32, #tpu.memory_space<vmem_shared>> -> memref<10112x128xf32, #tpu.memory_space<vmem_shared>>
        tpu.enqueue_indirect_dma source(%arg13 : memref<80x128xf32, #tpu.memory_space<vmem>>) target(%dma_start3A_161 : memref<10112x128xf32, #tpu.memory_space<vmem_shared>>) offsets(%arg10 : memref<80xi32, #tpu.memory_space<vmem>>) semaphore(%run_scoped3A : memref<!tpu.dma_semaphore, #tpu.memory_space<semaphore_mem>>) {add = true}
        %dma_wait3A_162 = arith.constant 0 : i32
        %dma_wait3A_163 = arith.constant 0 : i32
        %dma_wait3A_164 = tpu.memref_slice %arg14[%dma_wait3A_162, %dma_wait3A_163] : memref<10112x128xf32, #tpu.memory_space<vmem_shared>> -> memref<10112x128xf32, #tpu.memory_space<vmem_shared>>
        tpu.wait_indirect_dma semaphore(%run_scoped3A : memref<!tpu.dma_semaphore, #tpu.memory_space<semaphore_mem>>) src(%arg13 : memref<80x128xf32, #tpu.memory_space<vmem>>) dst(%dma_wait3A_164 : memref<10112x128xf32, #tpu.memory_space<vmem_shared>>)
        tpu.yield
      }) : () -> ()
      %scan3A_158 = arith.constant 0 : i32
      scf.yield %scan3A_158 : i32
    }
    %scan3A_22 = arith.constant 125 : i32
    %barrier3A_23 = arith.constant 0 : index
    tpu.barrier barrier_id(%barrier3A_23)
    %scan3A_24 = arith.constant 0 : i32
    %scan3A_25 = arith.constant 0 : i32
    %scan3A_26 = arith.constant 7 : i32
    %scan3A_27 = arith.addi %scan3A_25, %scan3A_26 : i32
    %scan3A_28 = arith.constant 1 : i32
    %scan3A_29 = scf.for %scan3A_35 = %scan3A_25 to %scan3A_27 step %scan3A_28 iter_args(%scan3A_36 = %scan3A_24) -> (i32)  : i32 {
      %mul3A_37 = arith.constant 80 : i32
      %mul3A_38 = arith.muli %scan3A_35, %mul3A_37 : i32
      %add3A_39 = arith.addi %mul3A_2, %mul3A_38 : i32
      "tpu.region"() ({
        %run_scoped3A = tpu.sem_alloc : memref<!tpu.dma_semaphore, #tpu.memory_space<semaphore_mem>>
        %dma_start3A = arith.constant 0 : i32
        %dma_start3A_42 = tpu.memref_slice %arg14[%add3A_39, %dma_start3A] : memref<10112x128xf32, #tpu.memory_space<vmem_shared>> -> memref<80x128xf32, #tpu.memory_space<vmem_shared>>
        %dma_start3A_43 = arith.constant 0 : i32
        %dma_start3A_44 = tpu.memref_slice %arg14[%add3A_39, %dma_start3A_43] : memref<10112x128xf32, #tpu.memory_space<vmem_shared>> -> memref<80x128xf32, #tpu.memory_space<vmem_shared>>
        tpu.enqueue_dma source(%dma_start3A_44 : memref<80x128xf32, #tpu.memory_space<vmem_shared>>) target(%arg11 : memref<80x128xf32, #tpu.memory_space<vmem>>) target_semaphore(%run_scoped3A : memref<!tpu.dma_semaphore, #tpu.memory_space<semaphore_mem>>)
        %dma_wait3A = arith.constant 0 : i32
        %dma_wait3A_45 = tpu.memref_slice %arg14[%add3A_39, %dma_wait3A] : memref<10112x128xf32, #tpu.memory_space<vmem_shared>> -> memref<80x128xf32, #tpu.memory_space<vmem_shared>>
        %dma_wait3A_46 = arith.constant 0 : i32
        %dma_wait3A_47 = tpu.memref_slice %arg14[%add3A_39, %dma_wait3A_46] : memref<10112x128xf32, #tpu.memory_space<vmem_shared>> -> memref<80x128xf32, #tpu.memory_space<vmem_shared>>
        tpu.wait_dma2 semaphore(%run_scoped3A : memref<!tpu.dma_semaphore, #tpu.memory_space<semaphore_mem>>) src(%dma_wait3A_47 : memref<80x128xf32, #tpu.memory_space<vmem_shared>>) dst(%arg11 : memref<80x128xf32, #tpu.memory_space<vmem>>)
        tpu.yield
      }) : () -> ()
      %add3A_40 = arith.addi %add3A_5, %mul3A_38 : i32
      "tpu.region"() ({
        %run_scoped3A = tpu.sem_alloc : memref<!tpu.dma_semaphore, #tpu.memory_space<semaphore_mem>>
        %dma_start3A = arith.constant 0 : i32
        %dma_start3A_42 = tpu.memref_slice %arg7[%add3A_40, %dma_start3A] : memref<20224x128xf32, #tpu.memory_space<hbm>> -> memref<80x128xf32, #tpu.memory_space<hbm>>
        %dma_start3A_43 = arith.constant 0 : i32
        %dma_start3A_44 = tpu.memref_slice %arg7[%add3A_40, %dma_start3A_43] : memref<20224x128xf32, #tpu.memory_space<hbm>> -> memref<80x128xf32, #tpu.memory_space<hbm>>
        tpu.enqueue_dma source(%arg11 : memref<80x128xf32, #tpu.memory_space<vmem>>) target(%dma_start3A_44 : memref<80x128xf32, #tpu.memory_space<hbm>>) target_semaphore(%run_scoped3A : memref<!tpu.dma_semaphore, #tpu.memory_space<semaphore_mem>>)
        %dma_wait3A = arith.constant 0 : i32
        %dma_wait3A_45 = tpu.memref_slice %arg7[%add3A_40, %dma_wait3A] : memref<20224x128xf32, #tpu.memory_space<hbm>> -> memref<80x128xf32, #tpu.memory_space<hbm>>
        %dma_wait3A_46 = arith.constant 0 : i32
        %dma_wait3A_47 = tpu.memref_slice %arg7[%add3A_40, %dma_wait3A_46] : memref<20224x128xf32, #tpu.memory_space<hbm>> -> memref<80x128xf32, #tpu.memory_space<hbm>>
        tpu.wait_dma2 semaphore(%run_scoped3A : memref<!tpu.dma_semaphore, #tpu.memory_space<semaphore_mem>>) src(%arg11 : memref<80x128xf32, #tpu.memory_space<vmem>>) dst(%dma_wait3A_47 : memref<80x128xf32, #tpu.memory_space<hbm>>)
        tpu.yield
      }) : () -> ()
      %scan3A_41 = arith.constant 0 : i32
      scf.yield %scan3A_41 : i32
    }
    %scan3A_30 = arith.constant 7 : i32
    %add3A_31 = arith.constant 560 : i32
    %add3A_32 = arith.addi %mul3A_2, %add3A_31 : i32
    "tpu.region"() ({
      %run_scoped3A = tpu.sem_alloc : memref<!tpu.dma_semaphore, #tpu.memory_space<semaphore_mem>>
      %dma_start3A = arith.constant 0 : i32
      %dma_start3A_35 = arith.constant 0 : i32
      %dma_start3A_36 = tpu.memref_slice %arg11[%dma_start3A, %dma_start3A_35] : memref<80x128xf32, #tpu.memory_space<vmem>> -> memref<72x128xf32, #tpu.memory_space<vmem>>
      %dma_start3A_37 = arith.constant 0 : i32
      %dma_start3A_38 = tpu.memref_slice %arg14[%add3A_32, %dma_start3A_37] : memref<10112x128xf32, #tpu.memory_space<vmem_shared>> -> memref<72x128xf32, #tpu.memory_space<vmem_shared>>
      %dma_start3A_39 = arith.constant 0 : i32
      %dma_start3A_40 = arith.constant 0 : i32
      %dma_start3A_41 = tpu.memref_slice %arg11[%dma_start3A_39, %dma_start3A_40] : memref<80x128xf32, #tpu.memory_space<vmem>> -> memref<72x128xf32, #tpu.memory_space<vmem>>
      %dma_start3A_42 = arith.constant 0 : i32
      %dma_start3A_43 = tpu.memref_slice %arg14[%add3A_32, %dma_start3A_42] : memref<10112x128xf32, #tpu.memory_space<vmem_shared>> -> memref<72x128xf32, #tpu.memory_space<vmem_shared>>
      tpu.enqueue_dma source(%dma_start3A_43 : memref<72x128xf32, #tpu.memory_space<vmem_shared>>) target(%dma_start3A_41 : memref<72x128xf32, #tpu.memory_space<vmem>>) target_semaphore(%run_scoped3A : memref<!tpu.dma_semaphore, #tpu.memory_space<semaphore_mem>>)
      %dma_wait3A = arith.constant 0 : i32
      %dma_wait3A_44 = arith.constant 0 : i32
      %dma_wait3A_45 = tpu.memref_slice %arg11[%dma_wait3A, %dma_wait3A_44] : memref<80x128xf32, #tpu.memory_space<vmem>> -> memref<72x128xf32, #tpu.memory_space<vmem>>
      %dma_wait3A_46 = arith.constant 0 : i32
      %dma_wait3A_47 = tpu.memref_slice %arg14[%add3A_32, %dma_wait3A_46] : memref<10112x128xf32, #tpu.memory_space<vmem_shared>> -> memref<72x128xf32, #tpu.memory_space<vmem_shared>>
      %dma_wait3A_48 = arith.constant 0 : i32
      %dma_wait3A_49 = arith.constant 0 : i32
      %dma_wait3A_50 = tpu.memref_slice %arg11[%dma_wait3A_48, %dma_wait3A_49] : memref<80x128xf32, #tpu.memory_space<vmem>> -> memref<72x128xf32, #tpu.memory_space<vmem>>
      %dma_wait3A_51 = arith.constant 0 : i32
      %dma_wait3A_52 = tpu.memref_slice %arg14[%add3A_32, %dma_wait3A_51] : memref<10112x128xf32, #tpu.memory_space<vmem_shared>> -> memref<72x128xf32, #tpu.memory_space<vmem_shared>>
      tpu.wait_dma2 semaphore(%run_scoped3A : memref<!tpu.dma_semaphore, #tpu.memory_space<semaphore_mem>>) src(%dma_wait3A_52 : memref<72x128xf32, #tpu.memory_space<vmem_shared>>) dst(%dma_wait3A_50 : memref<72x128xf32, #tpu.memory_space<vmem>>)
      tpu.yield
    }) : () -> ()
    %add3A_33 = arith.constant 560 : i32
    %add3A_34 = arith.addi %add3A_5, %add3A_33 : i32
    "tpu.region"() ({
      %run_scoped3A = tpu.sem_alloc : memref<!tpu.dma_semaphore, #tpu.memory_space<semaphore_mem>>
      %dma_start3A = arith.constant 0 : i32
      %dma_start3A_35 = arith.constant 0 : i32
      %dma_start3A_36 = tpu.memref_slice %arg11[%dma_start3A, %dma_start3A_35] : memref<80x128xf32, #tpu.memory_space<vmem>> -> memref<72x128xf32, #tpu.memory_space<vmem>>
      %dma_start3A_37 = arith.constant 0 : i32
      %dma_start3A_38 = tpu.memref_slice %arg7[%add3A_34, %dma_start3A_37] : memref<20224x128xf32, #tpu.memory_space<hbm>> -> memref<72x128xf32, #tpu.memory_space<hbm>>
      %dma_start3A_39 = arith.constant 0 : i32
      %dma_start3A_40 = tpu.memref_slice %arg7[%add3A_34, %dma_start3A_39] : memref<20224x128xf32, #tpu.memory_space<hbm>> -> memref<72x128xf32, #tpu.memory_space<hbm>>
      %dma_start3A_41 = arith.constant 0 : i32
      %dma_start3A_42 = arith.constant 0 : i32
      %dma_start3A_43 = tpu.memref_slice %arg11[%dma_start3A_41, %dma_start3A_42] : memref<80x128xf32, #tpu.memory_space<vmem>> -> memref<72x128xf32, #tpu.memory_space<vmem>>
      tpu.enqueue_dma source(%dma_start3A_43 : memref<72x128xf32, #tpu.memory_space<vmem>>) target(%dma_start3A_40 : memref<72x128xf32, #tpu.memory_space<hbm>>) target_semaphore(%run_scoped3A : memref<!tpu.dma_semaphore, #tpu.memory_space<semaphore_mem>>)
      %dma_wait3A = arith.constant 0 : i32
      %dma_wait3A_44 = arith.constant 0 : i32
      %dma_wait3A_45 = tpu.memref_slice %arg11[%dma_wait3A, %dma_wait3A_44] : memref<80x128xf32, #tpu.memory_space<vmem>> -> memref<72x128xf32, #tpu.memory_space<vmem>>
      %dma_wait3A_46 = arith.constant 0 : i32
      %dma_wait3A_47 = tpu.memref_slice %arg7[%add3A_34, %dma_wait3A_46] : memref<20224x128xf32, #tpu.memory_space<hbm>> -> memref<72x128xf32, #tpu.memory_space<hbm>>
      %dma_wait3A_48 = arith.constant 0 : i32
      %dma_wait3A_49 = tpu.memref_slice %arg7[%add3A_34, %dma_wait3A_48] : memref<20224x128xf32, #tpu.memory_space<hbm>> -> memref<72x128xf32, #tpu.memory_space<hbm>>
      %dma_wait3A_50 = arith.constant 0 : i32
      %dma_wait3A_51 = arith.constant 0 : i32
      %dma_wait3A_52 = tpu.memref_slice %arg11[%dma_wait3A_50, %dma_wait3A_51] : memref<80x128xf32, #tpu.memory_space<vmem>> -> memref<72x128xf32, #tpu.memory_space<vmem>>
      tpu.wait_dma2 semaphore(%run_scoped3A : memref<!tpu.dma_semaphore, #tpu.memory_space<semaphore_mem>>) src(%dma_wait3A_52 : memref<72x128xf32, #tpu.memory_space<vmem>>) dst(%dma_wait3A_49 : memref<72x128xf32, #tpu.memory_space<hbm>>)
      tpu.yield
    }) : () -> ()
    return
  }
}

module attributes {stable_mosaic.version = 14 : i64} {
  func.func @_edge_mm_body(%arg0: i32, %arg1: memref<1280x16xf32, #tpu.memory_space<vmem>>, %arg2: memref<16x128xf32, #tpu.memory_space<vmem>>, %arg3: memref<1x128xf32, #tpu.memory_space<vmem>>, %arg4: memref<1280x128xf32, #tpu.memory_space<vmem>>) attributes {dimension_semantics = [#tpu.dimension_semantics<arbitrary>], iteration_bounds = array<i64: 250>, scalar_prefetch = 0 : i64, scratch_operands = 0 : i64, tpu.core_type = #tpu.core_type<tc>, window_params = [{transform_indices = @transform_0, window_bounds = array<i64: 1280, 16>}, {pipeline_mode = #tpu.pipeline_mode<synchronous>, transform_indices = @transform_1, window_bounds = array<i64: 16, 128>}, {pipeline_mode = #tpu.pipeline_mode<synchronous>, transform_indices = @transform_2, window_bounds = array<i64: 1, 128>}, {transform_indices = @transform_3, window_bounds = array<i64: 1280, 128>}]} {
    %get3A = arith.constant 0 : index
    %get3A_0 = arith.constant 0 : index
    %get3A_1 = vector.load %arg1[%get3A, %get3A_0] : memref<1280x16xf32, #tpu.memory_space<vmem>>, vector<1280x16xf32>
    %get3A_2 = arith.constant 0 : index
    %get3A_3 = arith.constant 0 : index
    %get3A_4 = vector.load %arg2[%get3A_2, %get3A_3] : memref<16x128xf32, #tpu.memory_space<vmem>>, vector<16x128xf32>
    %dot_general3A = arith.constant dense<0.000000e+00> : vector<1280x128xf32>
    %dot_general3A_5 = tpu.matmul %get3A_1, %get3A_4, %dot_general3A {dimension_numbers = #tpu.dot_dimension_numbers<[1], [0], [0], [1], [0, 0, 1, 1], [], []>, transpose_lhs_hint = false} : vector<1280x16xf32>, vector<16x128xf32>, vector<1280x128xf32> -> vector<1280x128xf32>
    %get3A_6 = arith.constant 0 : index
    %get3A_7 = arith.constant 0 : index
    %get3A_8 = vector.load %arg3[%get3A_6, %get3A_7] : memref<1x128xf32, #tpu.memory_space<vmem>>, vector<1x128xf32>
    %add3A = vector.broadcast %get3A_8 : vector<1x128xf32> to vector<1280x128xf32>
    %add3A_9 = arith.addf %dot_general3A_5, %add3A : vector<1280x128xf32>
    %swap3A = arith.constant 0 : index
    %swap3A_10 = arith.constant 0 : index
    %swap3A_11 = vector.load %arg4[%swap3A, %swap3A_10] : memref<1280x128xf32, #tpu.memory_space<vmem>>, vector<1280x128xf32>
    tpu.vector_store %arg4[%swap3A, %swap3A_10], %add3A_9 {strides = array<i32>} : memref<1280x128xf32, #tpu.memory_space<vmem>>, vector<1280x128xf32>,
    return
  }
  func.func @transform_0(%arg0: i32) -> (i32, i32) {
    %c0_i32 = arith.constant 0 : i32
    %c0_i32_0 = arith.constant 0 : i32
    return %arg0, %c0_i32 : i32, i32
  }
  func.func @transform_1(%arg0: i32) -> (i32, i32) {
    %c0_i32 = arith.constant 0 : i32
    %c0_i32_0 = arith.constant 0 : i32
    %c0_i32_1 = arith.constant 0 : i32
    return %c0_i32, %c0_i32_0 : i32, i32
  }
  func.func @transform_2(%arg0: i32) -> (i32, i32) {
    %c0_i32 = arith.constant 0 : i32
    %c0_i32_0 = arith.constant 0 : i32
    %c0_i32_1 = arith.constant 0 : i32
    return %c0_i32, %c0_i32_0 : i32, i32
  }
  func.func @transform_3(%arg0: i32) -> (i32, i32) {
    %c0_i32 = arith.constant 0 : i32
    %c0_i32_0 = arith.constant 0 : i32
    return %arg0, %c0_i32 : i32, i32
  }
}

module attributes {stable_mosaic.version = 14 : i64} {
  func.func @_node_mm_body(%arg0: i32, %arg1: memref<400x128xf32, #tpu.memory_space<vmem>>, %arg2: memref<128x128xf32, #tpu.memory_space<vmem>>, %arg3: memref<128x128xf32, #tpu.memory_space<vmem>>, %arg4: memref<400x128xf32, #tpu.memory_space<vmem>>, %arg5: memref<400x128xf32, #tpu.memory_space<vmem>>) attributes {dimension_semantics = [#tpu.dimension_semantics<arbitrary>], iteration_bounds = array<i64: 25>, scalar_prefetch = 0 : i64, scratch_operands = 0 : i64, tpu.core_type = #tpu.core_type<tc>, window_params = [{transform_indices = @transform_0, window_bounds = array<i64: 400, 128>}, {pipeline_mode = #tpu.pipeline_mode<synchronous>, transform_indices = @transform_1, window_bounds = array<i64: 128, 128>}, {pipeline_mode = #tpu.pipeline_mode<synchronous>, transform_indices = @transform_2, window_bounds = array<i64: 128, 128>}, {transform_indices = @transform_3, window_bounds = array<i64: 400, 128>}, {transform_indices = @transform_4, window_bounds = array<i64: 400, 128>}]} {
    %get3A = arith.constant 0 : index
    %get3A_0 = arith.constant 0 : index
    %get3A_1 = vector.load %arg1[%get3A, %get3A_0] : memref<400x128xf32, #tpu.memory_space<vmem>>, vector<400x128xf32>
    %get3A_2 = arith.constant 0 : index
    %get3A_3 = arith.constant 0 : index
    %get3A_4 = vector.load %arg2[%get3A_2, %get3A_3] : memref<128x128xf32, #tpu.memory_space<vmem>>, vector<128x128xf32>
    %dot_general3A = arith.constant dense<0.000000e+00> : vector<400x128xf32>
    %dot_general3A_5 = tpu.matmul %get3A_1, %get3A_4, %dot_general3A {dimension_numbers = #tpu.dot_dimension_numbers<[1], [0], [0], [1], [0, 0, 1, 1], [], []>, transpose_lhs_hint = false} : vector<400x128xf32>, vector<128x128xf32>, vector<400x128xf32> -> vector<400x128xf32>
    %swap3A = arith.constant 0 : index
    %swap3A_6 = arith.constant 0 : index
    %swap3A_7 = vector.load %arg4[%swap3A, %swap3A_6] : memref<400x128xf32, #tpu.memory_space<vmem>>, vector<400x128xf32>
    tpu.vector_store %arg4[%swap3A, %swap3A_6], %dot_general3A_5 {strides = array<i32>} : memref<400x128xf32, #tpu.memory_space<vmem>>, vector<400x128xf32>,
    %get3A_8 = arith.constant 0 : index
    %get3A_9 = arith.constant 0 : index
    %get3A_10 = vector.load %arg3[%get3A_8, %get3A_9] : memref<128x128xf32, #tpu.memory_space<vmem>>, vector<128x128xf32>
    %dot_general3A_11 = arith.constant dense<0.000000e+00> : vector<400x128xf32>
    %dot_general3A_12 = tpu.matmul %get3A_1, %get3A_10, %dot_general3A_11 {dimension_numbers = #tpu.dot_dimension_numbers<[1], [0], [0], [1], [0, 0, 1, 1], [], []>, transpose_lhs_hint = false} : vector<400x128xf32>, vector<128x128xf32>, vector<400x128xf32> -> vector<400x128xf32>
    %swap3A_13 = arith.constant 0 : index
    %swap3A_14 = arith.constant 0 : index
    %swap3A_15 = vector.load %arg5[%swap3A_13, %swap3A_14] : memref<400x128xf32, #tpu.memory_space<vmem>>, vector<400x128xf32>
    tpu.vector_store %arg5[%swap3A_13, %swap3A_14], %dot_general3A_12 {strides = array<i32>} : memref<400x128xf32, #tpu.memory_space<vmem>>, vector<400x128xf32>,
    return
  }
  func.func @transform_0(%arg0: i32) -> (i32, i32) {
    %c0_i32 = arith.constant 0 : i32
    %c0_i32_0 = arith.constant 0 : i32
    return %arg0, %c0_i32 : i32, i32
  }
  func.func @transform_1(%arg0: i32) -> (i32, i32) {
    %c0_i32 = arith.constant 0 : i32
    %c0_i32_0 = arith.constant 0 : i32
    %c0_i32_1 = arith.constant 0 : i32
    return %c0_i32, %c0_i32_0 : i32, i32
  }
  func.func @transform_2(%arg0: i32) -> (i32, i32) {
    %c0_i32 = arith.constant 0 : i32
    %c0_i32_0 = arith.constant 0 : i32
    %c0_i32_1 = arith.constant 0 : i32
    return %c0_i32, %c0_i32_0 : i32, i32
  }
  func.func @transform_3(%arg0: i32) -> (i32, i32) {
    %c0_i32 = arith.constant 0 : i32
    %c0_i32_0 = arith.constant 0 : i32
    return %arg0, %c0_i32 : i32, i32
  }
  func.func @transform_4(%arg0: i32) -> (i32, i32) {
    %c0_i32 = arith.constant 0 : i32
    %c0_i32_0 = arith.constant 0 : i32
    return %arg0, %c0_i32 : i32, i32
  }
}

module attributes {stable_mosaic.version = 14 : i64} {
  func.func @_cnt_mm_body(%arg0: i32, %arg1: memref<3200x1xi32, #tpu.memory_space<vmem>>, %arg2: memref<80x128xf32, #tpu.memory_space<vmem>>) attributes {dimension_semantics = [#tpu.dimension_semantics<arbitrary>], iteration_bounds = array<i64: 100>, scalar_prefetch = 0 : i64, scratch_operands = 0 : i64, tpu.core_type = #tpu.core_type<tc>, window_params = [{transform_indices = @transform_0, window_bounds = array<i64: 3200, 1>}, {pipeline_mode = #tpu.pipeline_mode<synchronous>, transform_indices = @transform_1, window_bounds = array<i64: 80, 128>}]} {
    %get3A = arith.constant 0 : index
    %get3A_0 = arith.constant 0 : index
    %get3A_1 = vector.load %arg1[%get3A, %get3A_0] : memref<3200x1xi32, #tpu.memory_space<vmem>>, vector<3200x1xi32>
    %shift_right_logical3A = arith.constant 7 : i32
    %shift_right_logical3A_2 = vector.broadcast %shift_right_logical3A : i32 to vector<3200x1xi32>
    %shift_right_logical3A_3 = arith.shrui %get3A_1, %shift_right_logical3A_2 : vector<3200x1xi32>
    %and3A = arith.constant 127 : i32
    %and3A_4 = vector.broadcast %and3A : i32 to vector<3200x1xi32>
    %and3A_5 = arith.andi %get3A_1, %and3A_4 : vector<3200x1xi32>
    %iota3A = tpu.iota {dimensions = array<i32: 1>} : vector<1x80xi32>
    %iota3A_6 = tpu.iota {dimensions = array<i32: 1>} : vector<1x128xi32>
    %eq3A = vector.broadcast %shift_right_logical3A_3 : vector<3200x1xi32> to vector<3200x80xi32>
    %eq3A_7 = vector.broadcast %iota3A : vector<1x80xi32> to vector<3200x80xi32>
    %eq3A_8 = arith.cmpi eq, %eq3A, %eq3A_7 : vector<3200x80xi32>
    %convert_element_type3A = arith.extui %eq3A_8 : vector<3200x80xi1> to vector<3200x80xi32>
    %convert_element_type3A_9 = arith.sitofp %convert_element_type3A : vector<3200x80xi32> to vector<3200x80xf32>
    %eq3A_10 = vector.broadcast %and3A_5 : vector<3200x1xi32> to vector<3200x128xi32>
    %eq3A_11 = vector.broadcast %iota3A_6 : vector<1x128xi32> to vector<3200x128xi32>
    %eq3A_12 = arith.cmpi eq, %eq3A_10, %eq3A_11 : vector<3200x128xi32>
    %convert_element_type3A_13 = arith.extui %eq3A_12 : vector<3200x128xi1> to vector<3200x128xi32>
    %convert_element_type3A_14 = arith.sitofp %convert_element_type3A_13 : vector<3200x128xi32> to vector<3200x128xf32>
    %dot_general3A = arith.constant dense<0.000000e+00> : vector<80x128xf32>
    %dot_general3A_15 = tpu.matmul %convert_element_type3A_9, %convert_element_type3A_14, %dot_general3A {dimension_numbers = #tpu.dot_dimension_numbers<[0], [0], [1], [1], [0, 1, 1, 1], [], []>, transpose_lhs_hint = false} : vector<3200x80xf32>, vector<3200x128xf32>, vector<80x128xf32> -> vector<80x128xf32>
    %eq3A_16 = arith.constant 0 : i32
    %eq3A_17 = arith.cmpi eq, %arg0, %eq3A_16 : i32
    %convert_element_type3A_18 = arith.extui %eq3A_17 : i1 to i32
    %cond3A = arith.constant 0 : i32
    %cond3A_19 = arith.cmpi ne, %convert_element_type3A_18, %cond3A : i32
    scf.if %cond3A_19 {
      %broadcast_in_dim3A = arith.constant 0.000000e+00 : f32
      %broadcast_in_dim3A_25 = vector.broadcast %broadcast_in_dim3A : f32 to vector<80x128xf32>
      %swap3A_26 = arith.constant 0 : index
      %swap3A_27 = arith.constant 0 : index
      %swap3A_28 = vector.load %arg2[%swap3A_26, %swap3A_27] : memref<80x128xf32, #tpu.memory_space<vmem>>, vector<80x128xf32>
      tpu.vector_store %arg2[%swap3A_26, %swap3A_27], %broadcast_in_dim3A_25 {strides = array<i32>} : memref<80x128xf32, #tpu.memory_space<vmem>>, vector<80x128xf32>,
    } else {
    }
    %get3A_20 = arith.constant 0 : index
    %get3A_21 = arith.constant 0 : index
    %get3A_22 = vector.load %arg2[%get3A_20, %get3A_21] : memref<80x128xf32, #tpu.memory_space<vmem>>, vector<80x128xf32>
    %add3A = arith.addf %get3A_22, %dot_general3A_15 : vector<80x128xf32>
    %swap3A = arith.constant 0 : index
    %swap3A_23 = arith.constant 0 : index
    %swap3A_24 = vector.load %arg2[%swap3A, %swap3A_23] : memref<80x128xf32, #tpu.memory_space<vmem>>, vector<80x128xf32>
    tpu.vector_store %arg2[%swap3A, %swap3A_23], %add3A {strides = array<i32>} : memref<80x128xf32, #tpu.memory_space<vmem>>, vector<80x128xf32>,
    return
  }
  func.func @transform_0(%arg0: i32) -> (i32, i32) {
    %c0_i32 = arith.constant 0 : i32
    %c0_i32_0 = arith.constant 0 : i32
    return %arg0, %c0_i32 : i32, i32
  }
  func.func @transform_1(%arg0: i32) -> (i32, i32) {
    %c0_i32 = arith.constant 0 : i32
    %c0_i32_0 = arith.constant 0 : i32
    %c0_i32_1 = arith.constant 0 : i32
    return %c0_i32, %c0_i32_0 : i32, i32
  }
}

module attributes {stable_mosaic.version = 14 : i64} {
  func.func @_final_body(%arg0: i32, %arg1: memref<400x128xf32, #tpu.memory_space<vmem>>, %arg2: memref<400x128xf32, #tpu.memory_space<vmem>>, %arg3: memref<400x1xf32, #tpu.memory_space<vmem>>, %arg4: memref<128x128xf32, #tpu.memory_space<vmem>>, %arg5: memref<1x128xf32, #tpu.memory_space<vmem>>, %arg6: memref<400x128xf32, #tpu.memory_space<vmem>>) attributes {dimension_semantics = [#tpu.dimension_semantics<arbitrary>], iteration_bounds = array<i64: 25>, scalar_prefetch = 0 : i64, scratch_operands = 0 : i64, tpu.core_type = #tpu.core_type<tc>, window_params = [{transform_indices = @transform_0, window_bounds = array<i64: 400, 128>}, {transform_indices = @transform_1, window_bounds = array<i64: 400, 128>}, {transform_indices = @transform_2, window_bounds = array<i64: 400, 1>}, {pipeline_mode = #tpu.pipeline_mode<synchronous>, transform_indices = @transform_3, window_bounds = array<i64: 128, 128>}, {pipeline_mode = #tpu.pipeline_mode<synchronous>, transform_indices = @transform_4, window_bounds = array<i64: 1, 128>}, {transform_indices = @transform_5, window_bounds = array<i64: 400, 128>}]} {
    %get3A = arith.constant 0 : index
    %get3A_0 = arith.constant 0 : index
    %get3A_1 = vector.load %arg1[%get3A, %get3A_0] : memref<400x128xf32, #tpu.memory_space<vmem>>, vector<400x128xf32>
    %get3A_2 = arith.constant 0 : index
    %get3A_3 = arith.constant 0 : index
    %get3A_4 = vector.load %arg2[%get3A_2, %get3A_3] : memref<400x128xf32, #tpu.memory_space<vmem>>, vector<400x128xf32>
    %add3A = arith.addf %get3A_1, %get3A_4 : vector<400x128xf32>
    %get3A_5 = arith.constant 0 : index
    %get3A_6 = arith.constant 0 : index
    %get3A_7 = vector.load %arg3[%get3A_5, %get3A_6] : memref<400x1xf32, #tpu.memory_space<vmem>>, vector<400x1xf32>
    %get3A_8 = arith.constant 0 : index
    %get3A_9 = arith.constant 0 : index
    %get3A_10 = vector.load %arg4[%get3A_8, %get3A_9] : memref<128x128xf32, #tpu.memory_space<vmem>>, vector<128x128xf32>
    %dot_general3A = arith.constant dense<0.000000e+00> : vector<400x128xf32>
    %dot_general3A_11 = tpu.matmul %add3A, %get3A_10, %dot_general3A {dimension_numbers = #tpu.dot_dimension_numbers<[1], [0], [0], [1], [0, 0, 1, 1], [], []>, transpose_lhs_hint = false} : vector<400x128xf32>, vector<128x128xf32>, vector<400x128xf32> -> vector<400x128xf32>
    %get3A_12 = arith.constant 0 : index
    %get3A_13 = arith.constant 0 : index
    %get3A_14 = vector.load %arg5[%get3A_12, %get3A_13] : memref<1x128xf32, #tpu.memory_space<vmem>>, vector<1x128xf32>
    %mul3A = vector.broadcast %get3A_7 : vector<400x1xf32> to vector<400x128xf32>
    %mul3A_15 = vector.broadcast %get3A_14 : vector<1x128xf32> to vector<400x128xf32>
    %mul3A_16 = arith.mulf %mul3A, %mul3A_15 : vector<400x128xf32>
    %add3A_17 = arith.addf %dot_general3A_11, %mul3A_16 : vector<400x128xf32>
    %max3A = arith.constant 1.000000e+00 : f32
    %max3A_18 = vector.broadcast %max3A : f32 to vector<400x1xf32>
    %max3A_19 = arith.maximumf %get3A_7, %max3A_18 : vector<400x1xf32>
    %div3A = vector.broadcast %max3A_19 : vector<400x1xf32> to vector<400x128xf32>
    %div3A_20 = arith.divf %add3A_17, %div3A : vector<400x128xf32>
    %swap3A = arith.constant 0 : index
    %swap3A_21 = arith.constant 0 : index
    %swap3A_22 = vector.load %arg6[%swap3A, %swap3A_21] : memref<400x128xf32, #tpu.memory_space<vmem>>, vector<400x128xf32>
    tpu.vector_store %arg6[%swap3A, %swap3A_21], %div3A_20 {strides = array<i32>} : memref<400x128xf32, #tpu.memory_space<vmem>>, vector<400x128xf32>,
    return
  }
  func.func @transform_0(%arg0: i32) -> (i32, i32) {
    %c0_i32 = arith.constant 0 : i32
    %c0_i32_0 = arith.constant 0 : i32
    return %arg0, %c0_i32 : i32, i32
  }
  func.func @transform_1(%arg0: i32) -> (i32, i32) {
    %c0_i32 = arith.constant 0 : i32
    %c0_i32_0 = arith.constant 0 : i32
    return %arg0, %c0_i32 : i32, i32
  }
  func.func @transform_2(%arg0: i32) -> (i32, i32) {
    %c0_i32 = arith.constant 0 : i32
    %c0_i32_0 = arith.constant 0 : i32
    return %arg0, %c0_i32 : i32, i32
  }
  func.func @transform_3(%arg0: i32) -> (i32, i32) {
    %c0_i32 = arith.constant 0 : i32
    %c0_i32_0 = arith.constant 0 : i32
    %c0_i32_1 = arith.constant 0 : i32
    return %c0_i32, %c0_i32_0 : i32, i32
  }
  func.func @transform_4(%arg0: i32) -> (i32, i32) {
    %c0_i32 = arith.constant 0 : i32
    %c0_i32_0 = arith.constant 0 : i32
    %c0_i32_1 = arith.constant 0 : i32
    return %c0_i32, %c0_i32_0 : i32, i32
  }
  func.func @transform_5(%arg0: i32) -> (i32, i32) {
    %c0_i32 = arith.constant 0 : i32
    %c0_i32_0 = arith.constant 0 : i32
    return %arg0, %c0_i32 : i32, i32
  }
}

</mosaic_0001>

<sc_bundles>
// kernel: kernel.7.cloned.1.call-start
scs
__scs_entry_jumppad:
0x0: {  	(pc) =	sbr.rel $0x88, $3  }
0x1: {  	(tag) =	ssettag $0x0;
	lr =	simm.s32 $0x1  }
0x2: {  	[smem:$0x3F9A] =	sst lr;
	_ =	strace $0xD0000000  }
0x3: {  	_ = 	snop  }
0x4: {  	_ = 	snop  }
0x5: {  	_ = 	snop  }
0x6: {  	_ = 	snop  }
0x7: {  	_ = 	snop  }
__scs_overlays_trampoline_lowered:
0x8: {  	[smem:$0x3FA9] =	sst s0  }
0x9: {  	[smem:$0x3FAA] =	sst s1  }
0xa: {  	[smem:$0x3FAB] =	sst s2  }
0xb: {  	[smem:$0x3FAC] =	sst s3  }
0xc: {  	[smem:$0x3FAD] =	sst s4  }
0xd: {  	[smem:$0x3FAE] =	sst s5  }
0xe: {  	[smem:$0x3FAF] =	sst s6  }
0xf: {  	[smem:$0x3FB0] =	sst s7  }
0x10: {  	[smem:$0x3FB1] =	sst s8  }
0x11: {  	[smem:$0x3FB2] =	sst s9;
	s0 =	simm.s32 @!p0 $0x0  }
0x12: {  	s1 =	sld [smem:$0x3F98];
	s0 =	simm.s32 @p0 $0x1  }
0x13: {  	[smem:$0x3FB3] =	sst s0;
	s0 =	simm.s32 @!p1 $0x0  }
0x14: {  	s2 =	sld [smem:$0x3F97];
	s0 =	simm.s32 @p1 $0x1  }
0x15: {  	[smem:$0x3FB4] =	sst s0;
	s0 =	simm.s32 @!p2 $0x0  }
0x16: {  	s3 =	sld [smem:$0x3FDB];
	s0 =	simm.s32 @p2 $0x1  }
0x17: {  	s4 =	simm.s32 $0x1BF5;
	[smem:$0x3FB6] =	sst s0  }
0x18: {  	s0 =	sld [smem:$0x3F99];
	_ =	swait.ge [sflag:s4], $0x0  }
0x19: {  	s7 =	sld [smem:$0x3F9A]  }
0x1a: {  	s8 =	sadd.s32 $0xFFFFE003, lr  }
0x1b: {  	s9 =	sadd.s32 $0xFFFFFEF7, lr;
	s5 =	simm.s32 $0xFFFFFFFF;
	p2 =	slt.u32 s8, $0xFFFFF086  }
0x1c: {  	p1 =	slt.u32 s9, $0xF7A;
	s5 =	simm.s32 @!p2 $0x0  }
0x1d: {  	s5 =	simm.s32 @p1 $0x1;
	p0 =	seq.s32 s7, s2  }
0x1e: {  	s7 =	smul.u32 @!p0 $0xF7A, s2;
	p2 =	seq.s32 @!p0 s5, $0x0  }
0x1f: {  	s9 =	smul.u32 $0xF7A, s1;
	s8 =	simm.s32 @!p0 $0x1BF5;
	p2 =	por !p2, p0  }
0x20: {  	[sflag:s8] =	ssyncset.s32 @!p0 $0xFFFFF086;
	s6 =	sadd.s32 @!p0 s3, s7;
	s7 =	simm.s32 @!p0 $0x108  }
0x21: {  	s3 =	sadd.s32 s3, s9;
	s6 =	sadd.s32 @!p0 $0x88, s6;
	s7 =	simm.s32 @p2 $0x1082  }
0x22: {  	[simem:s7], [sflag:s8] =	dma.local @!p0 [hbm:s6], $0xF7A  }
0x23: {  	s9 =	sor.u32 $0xD0000000, s2;
	s6 =	simm.s32 $0x108;
	_ =	swait.ge @!p0 [sflag:s8], $0x0  }
0x24: {  	s3 =	sadd.s32 $0x88, s3;
	s6 =	simm.s32 @!p1 $0x1082;
	[sflag:s4] =	ssyncset.s32 $0xFFFFF086  }
0x25: {  	[simem:s6], [sflag:s4] =	dma.local [hbm:s3], $0xF7A  }
0x26: {  	[smem:$0x3F9A] =	sst s1;
	(tag) =	ssettag s2;
	_ =	strace s9  }
0x27: {  	s1 =	sld [smem:$0x3FAA]  }
0x28: {  	s2 =	sld [smem:$0x3FAB]  }
0x29: {  	s4 =	sld [smem:$0x3FAD]  }
0x2a: {  	p0 =	seq.s32 s5, $0x0;
	s5 =	sld [smem:$0x3FAE]  }
0x2b: {  	s6 =	sld [smem:$0x3FAF]  }
0x2c: {  	s7 =	sld [smem:$0x3FB0]  }
0x2d: {  	s3 =	simm.s32 $0x108;
	s8 =	sld [smem:$0x3FB1]  }
0x2e: {  	s3 =	simm.s32 @!p0 $0x1082;
	s9 =	sld [smem:$0x3FB2]  }
0x2f: {  	lr =	sadd.s32 s0, s3;
	s0 =	sld [smem:$0x3FA9]  }
0x30: {  	s3 =	sld [smem:$0x3FAC]  }
0x31: {  	[smem:$0x3FB5] =	sst s10  }
0x32: {  	s10 =	sld [smem:$0x3FB3];
	_ =	sdelay $0x3  }
0x33: {  	p0 =	seq.s32 s10, $0x1;
	s10 =	sld [smem:$0x3FB5];
	_ =	sdelay $0x3  }
0x34: {  	[smem:$0x3FB5] =	sst s10  }
0x35: {  	s10 =	sld [smem:$0x3FB4];
	_ =	sdelay $0x3  }
0x36: {  	p1 =	seq.s32 s10, $0x1;
	s10 =	sld [smem:$0x3FB5];
	_ =	sdelay $0x3  }
0x37: {  	[smem:$0x3FB5] =	sst s10  }
0x38: {  	s10 =	sld [smem:$0x3FB6]  }
0x39: {  	_ = 	snop;
	(pc) =	sbr.ind lr, $3  }
0x3a: {  	_ = 	snop  }
0x3b: {  	_ = 	snop  }
0x3c: {  	p2 =	seq.s32 s10, $0x1;
	s10 =	sld [smem:$0x3FB5]  }
0x3d: {  	_ =	shalt  }
0x3e: {  	_ =	shalt  }
0x3f: {  	_ =	shalt  }
0x40: {  	_ =	shalt  }
0x41: {  	_ =	shalt  }
0x42: {  	_ =	shalt  }
0x43: {  	_ =	shalt  }
0x44: {  	_ =	shalt  }
0x45: {  	_ =	shalt  }
0x46: {  	_ =	shalt  }
0x47: {  	_ =	shalt  }
0x48: {  	_ =	shalt  }
0x49: {  	_ =	shalt  }
0x4a: {  	_ =	shalt  }
0x4b: {  	_ =	shalt  }
0x4c: {  	_ =	shalt  }
0x4d: {  	_ =	shalt  }
0x4e: {  	_ =	shalt  }
0x4f: {  	_ =	shalt  }
0x50: {  	_ =	shalt  }
0x51: {  	_ =	shalt  }
0x52: {  	_ =	shalt  }
0x53: {  	_ =	shalt  }
0x54: {  	_ =	shalt  }
0x55: {  	_ =	shalt  }
0x56: {  	_ =	shalt  }
0x57: {  	_ =	shalt  }
0x58: {  	_ =	shalt  }
0x59: {  	_ =	shalt  }
0x5a: {  	_ =	shalt  }
0x5b: {  	_ =	shalt  }
0x5c: {  	_ =	shalt  }
0x5d: {  	_ =	shalt  }
0x5e: {  	_ =	shalt  }
0x5f: {  	_ =	shalt  }
0x60: {  	_ =	shalt  }
0x61: {  	_ =	shalt  }
0x62: {  	_ =	shalt  }
0x63: {  	_ =	shalt  }
0x64: {  	_ =	shalt  }
0x65: {  	_ =	shalt  }
0x66: {  	_ =	shalt  }
0x67: {  	_ =	shalt  }
0x68: {  	_ =	shalt  }
0x69: {  	_ =	shalt  }
0x6a: {  	_ =	shalt  }
0x6b: {  	_ =	shalt  }
0x6c: {  	_ =	shalt  }
0x6d: {  	_ =	shalt  }
0x6e: {  	_ =	shalt  }
0x6f: {  	_ =	shalt  }
0x70: {  	_ =	shalt  }
0x71: {  	_ =	shalt  }
0x72: {  	_ =	shalt  }
0x73: {  	_ =	shalt  }
0x74: {  	_ =	shalt  }
0x75: {  	_ =	shalt  }
0x76: {  	_ =	shalt  }
0x77: {  	_ =	shalt  }
0x78: {  	_ =	shalt  }
0x79: {  	_ =	shalt  }
0x7a: {  	_ =	shalt  }
0x7b: {  	_ =	shalt  }
0x7c: {  	_ =	shalt  }
0x7d: {  	_ =	shalt  }
0x7e: {  	_ =	shalt  }
0x7f: {  	_ =	shalt  }
0x80: {  	_ =	shalt  }
0x81: {  	_ =	shalt  }
0x82: {  	_ =	shalt  }
0x83: {  	_ =	shalt  }
0x84: {  	_ =	shalt  }
0x85: {  	_ =	shalt  }
0x86: {  	_ =	shalt  }
0x87: {  	_ =	shalt  }
.Lfunc_end0:
.L_simem_size_0:
called_computation_lowered:
.L_overlay_start_0:
0x88: {  	s2 =	sld [smem:$0x3FD9]  }
0x89: {  	s3 =	sld [smem:$0x3FFE];
	_ =	sdelay $0x1  }
0x8a: {  	s1 =	srdreg.scid  }
0x8b: {  	s0 =	sand.u32 $0x1, s1  }
0x8c: {  	s17 =	sshll.u32 s0, $0xA;
	s2 =	sadd.s32 s3, s2  }
0x8d: {  	s2 =	sadd.s32 s2, s17  }
0x8e: {  	[smem:$0x3FC1] =	sst s2  }
0x8f: {  	_ = 	snop  }
0x90: {  	s2 =	sld [smem:$0x3FD0];
	(tm) =	ssettm $0x1  }
0x91: {  	s18 =	sld [smem:$0x3FFB];
	_ =	sdelay $0x3  }
0x92: {  	_ =	strace s18  }
0x93: {  	s3 =	sld [smem:$0x3FFC];
	_ =	sdelay $0x3  }
0x94: {  	_ =	strace s3  }
0x95: {  	s3 =	sld [smem:$0x3FFD];
	_ =	sdelay $0x3  }
0x96: {  	_ =	strace s3  }
0x97: {  	_ =	strace $0x8FFFFFFF  }
0x98: {  	s19 =	sld [smem:$0x3FDB];
	_ =	sdelay $0x1  }
0x99: {  	s4 =	simm.s32 $_scs_section_size  }
0x9a: {  	s5 =	simm.s32 $_size__tile_overlayer_lowered;
	s6 =	simm.s32 $_tile_overlayer_lowered  }
0x9b: {  	s22 =	simm.s32 $0x1BFF;
	s21 =	sshll.u32 s6, $0x1;
	s3 =	sadd.s32 s4, s19  }
0x9c: {  	s7 =	simm.s32 $0x0;
	s20 =	sshll.u32 s5, $0x1;
	s5 =	sadd.s32 s21, s3  }
0x9d: {  	[timem:s7], [sflag:s22] =	dma.local [hbm:s5], s20  }
0x9e: {  	_ =	swait.ge [sflag:s22], s20  }
0x9f: {  	s4 =	ssub.s32 $0x0, s20;
	[sflag:s22] =	ssyncset.done $0x0  }
0xa0: {  	[sflag:s22] =	ssyncadd.s32 s4;
	_ =	sdelay $0x1  }
0xa1: {  	s23 =	simm.s32 $0x1B8B  }
0xa2: {  	_ =	swait.ge [sflag:s23], $0x1  }
0xa3: {  	[sflag:s23] =	ssyncset.done $0x0  }
0xa4: {  	s25 =	simm.s32 $0x1B8E;
	s24 =	sld [smem:$0x3FFE];
	[sflag:s23] =	ssyncadd.s32 $0xFFFFFFFF  }
0xa5: {  	s26 =	simm.s32 $execute0_lowered;
	[smem:$0x3FD2] =	sst s25  }
0xa6: {  	s5 =	sshll.u32 s26, $0x1;
	_ =	strace $0x80000046;
	[dreg:$0x1] =	wrdreg $0xFFFFFFFF  }
0xa7: {  	s28 =	simm.s32 $_size_execute0_lowered;
	s3 =	sadd.s32 s3, s5;
	[dreg:$0x0] =	wrdreg $0x0  }
0xa8: {  	s5 =	sshll.u32 s28, $0x1;
	[dreg:$0x2] =	wrdreg s3  }
0xa9: {  	[dreg:$0x3] =	wrdreg s5  }
0xaa: {  	[dreg:$0x4] =	wrdreg $0xC0  }
0xab: {  	_ =	task [dreg:s7], $0x5FFFF  }
0xac: {  	[dreg:$0x1] =	wrdreg $0xFFFFFFFF  }
0xad: {  	[dreg:$0x0] =	wrdreg $0x60  }
0xae: {  	[dreg:$0x2] =	wrdreg s24  }
0xaf: {  	[dreg:$0x3] =	wrdreg s2  }
0xb0: {  	[dreg:$0x4] =	wrdreg $0xA0800  }
0xb1: {  	[dreg:$0x5] =	wrdreg $0x9  }
0xb2: {  	_ =	task.clear_ibuf [dreg:s7], $0x6FFFF;
	_ =	strace $0x90000046  }
0xb3: {  	s29 =	simm.s32 $0x9;
	_ =	strace $0x80000048  }
0xb4: {  	_ =	swait.ge [sflag:s29], $0x1  }
0xb5: {  	[sflag:s29] =	ssyncadd.s32 $0xFFFFFFFF  }
0xb6: {  	_ =	strace $0x90000048  }
0xb7: {  	_ =	sfence  }
0xb8: {  	s30 =	sld [smem:$0x0];
	_ =	sdelay $0x2  }
0xb9: {  	s31 =	sshll.u32 s1, $0xD;
	s1 =	sshrl.u32 s1, $0x2  }
0xba: {  	s3 =	sand.u32 $0x4000, s31;
	s1 =	sadd.s32 s1, s30  }
0xbb: {  	s0 =	sor.u32 s3, s0;
	s1 =	sshll.u32 s1, $0x11  }
0xbc: {  	s0 =	sor.u32 s1, s0  }
0xbd: {  	s0 =	sadd.s32 $0x8F2B, s0  }
0xbe: {  	[sflag:s0] =	ssyncadd.remote.s32 $0x1  }
0xbf: {  	_ =	sfence.sel $0xFFFF  }
0xc0: {  	[dreg:$0x0] =	wrdreg $0xFFFFFFFF;
	(pc) =	sbr.abs _section_cstart, $3  }
0xc1: {  	[dreg:$0x1] =	wrdreg $0xFFFFFFFF  }
0xc2: {  	_ =	task.clear_ibuf [dreg:s7], $0x2FFFF;
	_ =	strace $0x9FFFFFFF  }
0xc3: {  	(tm) =	ssettm $0x7FFFFFFF  }
tec
execute0_lowered:
.L_overlay_start_1:
0x0: {  	(tag) =	ssettag $0x1  }
0x1: {  	s0 =	srdreg.scid;
	s1 =	rddreg [dreg:$0x0]  }
0x2: {  	s11 =	stileid.u32;
	s2 =	rddreg [dreg:$0x1];
	s5 =	simm.s32 $0x0  }
0x3: {  	s29 =	simm.s32 $0x4;
	s30 =	simm.s32 $0x50;
	s31 =	simm.s32 $0x2780  }
0x4: {  	s13 =	simm.s32 $0x7880;
	s14 =	simm.s32 $0x1;
	s7 =	smul.u32 $0x278, s11  }
0x5: {  	s0 =	sand.u32 $0x1, s0;
	[smem:$0x7FF] =	sst s5;
	s10 =	smul.u32 $0x4F000, s11  }
0x6: {  	s3 =	sshll.u32 s0, $0x4;
	s8 =	smul.u32 $0x2780, s0;
	s0 =	ssub.s32 $0x2, s0  }
0x7: {  	s4 =	sor.u32 s11, s3;
	s3 =	rddreg [dreg:$0x2];
	_ =	strace $0x80000047  }
0x8: {  	s17 =	sshrl.u32 s10, $0x2;
	s18 =	sshrl.u32 s0, $0x1;
	s11 =	sshll.u32 s11, $0x6  }
0x9: {  	s4 =	smul.u32 $0x2710, s4;
	s9 =	sadd.s32 s7, s8;
	s7 =	sadd.s32 $0x15800, s1  }
0xa: {  	s8 =	sadd.s32 $0x3CA00, s1;
	s0 =	ssub.s32 s0, s18;
	s10 =	sor.u32 $0x1C04, s11  }
0xb: {  	s9 =	sshll.u32 s9, $0x4;
	s0 =	smax.u32 s0, $0x1;
	s6 =	sshrl.u32 s4, $0x3  }
0xc: {  	[dreg:$0x6] =	wrdreg s0;
	s0 =	simm.s32 $0x2800;
	s12 =	sadd.s32 s6, s1  }
0xd: {  	s6 =	sadd.s32 $0x4F7800, s1;
	s1 =	sadd.s32 s9, s1;
	s12 =	sadd.s32 $0xBA00, s12  }
0xe: {  	s9 =	sadd.s32 s17, s3;
	s19 =	sadd.s32 $0x3F300, s1;
	[dreg:$0x4] =	wrdreg s12  }
0xf: {  	s11 =	sadd.s32 $0x11800, s9;
	s20 =	sadd.s32 $0x3D000, s1;
	[dreg:$0x5] =	wrdreg s19  }
0x10: {  	s15 =	sadd.s32 $0x2800, s9;
	s21 =	sadd.s32 $0x3D500, s1;
	[dreg:$0x7] =	wrdreg s20  }
0x11: {  	s16 =	sadd.s32 $0x5000, s9;
	s22 =	sadd.s32 $0x3DA00, s1;
	[dreg:$0x8] =	wrdreg s21  }
0x12: {  	s17 =	sadd.s32 $0x7800, s9;
	s23 =	sadd.s32 $0x3DF00, s1;
	[dreg:$0x9] =	wrdreg s22  }
0x13: {  	s18 =	sadd.s32 $0xA000, s9;
	s24 =	sadd.s32 $0x3E400, s1;
	[dreg:$0xa] =	wrdreg s23  }
0x14: {  	s25 =	sadd.s32 $0x3E900, s1;
	s26 =	sadd.s32 $0x3EE00, s1;
	[dreg:$0xb] =	wrdreg s24  }
0x15: {  	s28 =	sadd.s32 $0xF000, s9;
	s1 =	simm.s32 $0x2880;
	[dreg:$0xc] =	wrdreg s25  }
0x16: {  	[dreg:$0xd] =	wrdreg s26;
	s26 =	sadd.s32 $0xC800, s9;
	s12 =	simm.s32 $0x5080  }
0x17: {  	s19 =	simm.s32 $0x2;
	s20 =	simm.s32 $0x3;
	s21 =	simm.s32 $0x0  }
.LBB2_1:
0x18: {  	s22 =	sshrl.u32 s9, $0x3  }
0x19: {  	[spmem:s22], [sflag:s10] =	dma.local [hbm:s8], $0x500  }
0x1a: {  	_ =	swait.ge [sflag:s29], $0x500  }
0x1b: {  	[sflag:s29] =	ssyncset.done $0x0  }
0x1c: {  	s24 =	sshrl.u32 s15, $0x3;
	[sflag:s29] =	ssyncadd.s32 $0xFFFFFB00  }
0x1d: {  	[spmem:s24], [sflag:s10] =	dma.local [hbm:s8], $0x500  }
0x1e: {  	_ =	swait.ge [sflag:s29], $0x500  }
0x1f: {  	[sflag:s29] =	ssyncset.done $0x0  }
0x20: {  	s25 =	sshrl.u32 s16, $0x3;
	[sflag:s29] =	ssyncadd.s32 $0xFFFFFB00  }
0x21: {  	[spmem:s25], [sflag:s10] =	dma.local [hbm:s8], $0x500  }
0x22: {  	_ =	swait.ge [sflag:s29], $0x500  }
0x23: {  	[sflag:s29] =	ssyncset.done $0x0  }
0x24: {  	s23 =	sshrl.u32 s17, $0x3;
	[sflag:s29] =	ssyncadd.s32 $0xFFFFFB00  }
0x25: {  	[spmem:s23], [sflag:s10] =	dma.local [hbm:s8], $0x500  }
0x26: {  	_ =	swait.ge [sflag:s29], $0x500  }
0x27: {  	[sflag:s29] =	ssyncset.done $0x0  }
0x28: {  	s24 =	sshrl.u32 s18, $0x3;
	[sflag:s29] =	ssyncadd.s32 $0xFFFFFB00  }
0x29: {  	[spmem:s24], [sflag:s10] =	dma.local [hbm:s8], $0x500  }
0x2a: {  	_ =	swait.ge [sflag:s29], $0x500  }
0x2b: {  	[sflag:s29] =	ssyncset.done $0x0  }
0x2c: {  	s25 =	sshrl.u32 s26, $0x3;
	[sflag:s29] =	ssyncadd.s32 $0xFFFFFB00  }
0x2d: {  	[spmem:s25], [sflag:s10] =	dma.local [hbm:s8], $0x500  }
0x2e: {  	_ =	swait.ge [sflag:s29], $0x500  }
0x2f: {  	[sflag:s29] =	ssyncset.done $0x0  }
0x30: {  	s23 =	sshrl.u32 s28, $0x3;
	[sflag:s29] =	ssyncadd.s32 $0xFFFFFB00  }
0x31: {  	[spmem:s23], [sflag:s10] =	dma.local [hbm:s8], $0x500  }
0x32: {  	_ =	swait.ge [sflag:s29], $0x500  }
0x33: {  	[sflag:s29] =	ssyncset.done $0x0  }
0x34: {  	s24 =	sshrl.u32 s11, $0x3;
	[sflag:s29] =	ssyncadd.s32 $0xFFFFFB00  }
0x35: {  	[spmem:s24], [sflag:s10] =	dma.local [hbm:s8], $0x480  }
0x36: {  	_ =	swait.ge [sflag:s29], $0x480  }
0x37: {  	[sflag:s29] =	ssyncset.done $0x0  }
0x38: {  	[sflag:s29] =	ssyncadd.s32 $0xFFFFFB80  }
0x39: {  	[bflag:$0x0] =	sbarrier.arrive $0xFFFF  }
0x3a: {  	s25 =	rddreg [dreg:$0x4]  }
0x3b: {  	[tilespmem:s5], [sflag:$0x4] =	stream.linear.gather [hbm4b:s25+s5], $0x2710, $0x38;
	[tilespmem:$0x1DC80] =	vst v63  }
0x3c: {  	_ =	swait.ge [sflag:s29], $0x2710  }
0x3d: {  	[sflag:s29] =	ssyncset.done $0x0  }
0x3e: {  	s22 =	simm.s32 $0x0;
	[sflag:s29] =	ssyncadd.s32 $0xFFFFD8F0  }
.LBB2_2:
0x3f: {  	s23 =	smul.u32 $0x50, s22;
	_ =	sdelay $0x1  }
0x40: {  	v0 =	vld [tilespmem:s23+$0x0];
	_ =	sdelay $0x4  }
0x41: {  	v1 =	vshrl.u32 v0, $0xE  }
0x42: {  	v0 =	vand.u32 $0x3FFF, v0;
	[tilespmem:$0x2780] =	vst v1  }
0x43: {  	[tilespmem:$0x2800] =	vst v0  }
0x44: {  	v0 =	vld [tilespmem:s23+$0x10];
	_ =	sdelay $0x4  }
0x45: {  	v1 =	vshrl.u32 v0, $0xE  }
0x46: {  	v0 =	vand.u32 $0x3FFF, v0;
	[tilespmem:$0x2790] =	vst v1  }
0x47: {  	[tilespmem:$0x2810] =	vst v0  }
0x48: {  	v0 =	vld [tilespmem:s23+$0x20];
	_ =	sdelay $0x4  }
0x49: {  	v1 =	vshrl.u32 v0, $0xE  }
0x4a: {  	v0 =	vand.u32 $0x3FFF, v0;
	[tilespmem:$0x27A0] =	vst v1  }
0x4b: {  	[tilespmem:$0x2820] =	vst v0  }
0x4c: {  	v0 =	vld [tilespmem:s23+$0x30];
	_ =	sdelay $0x4  }
0x4d: {  	v1 =	vshrl.u32 v0, $0xE  }
0x4e: {  	v0 =	vand.u32 $0x3FFF, v0;
	[tilespmem:$0x27B0] =	vst v1  }
0x4f: {  	[tilespmem:$0x2830] =	vst v0  }
0x50: {  	v0 =	vld [tilespmem:s23+$0x40];
	_ =	sdelay $0x4  }
0x51: {  	v1 =	vshrl.u32 v0, $0xE  }
0x52: {  	v0 =	vand.u32 $0x3FFF, v0;
	[tilespmem:$0x27C0] =	vst v1  }
0x53: {  	s23 =	sadd.s32 s4, s23;
	[tilespmem:$0x2840] =	vst v0  }
0x54: {  	[tilespmem:s1], [sflag:$0x1] =	stream.indirect.gather [hbm4b:s2+s30], $0x80, s31, s30, $0xb8;
	[tilespmem:$0x1DC80] =	vst v63  }
0x55: {  	s23 =	sshll.u32 s23, $0x4  }
0x56: {  	[tilespmem:s12], [sflag:$0x2] =	stream.indirect.gather [hbm4b:s7+s30], $0x80, s0, s30, $0xb8;
	[tilespmem:$0x1DC80] =	vst v63  }
0x57: {  	s24 =	simm.s32 $0x0;
	s23 =	sadd.s32 s6, s23  }
0x58: {  	[tilespmem:s13], [sflag:$0x3] =	stream.linear.gather [hbm4b:s23+s24], $0x2800, $0x38;
	[tilespmem:$0x1DC80] =	vst v63  }
0x59: {  	_ =	swait.ge [sflag:s14], $0x2800  }
0x5a: {  	[sflag:s14] =	ssyncset.done $0x0  }
0x5b: {  	[sflag:s14] =	ssyncadd.s32 $0xFFFFD800  }
0x5c: {  	_ =	swait.ge [sflag:s19], $0x2800  }
0x5d: {  	[sflag:s19] =	ssyncset.done $0x0  }
0x5e: {  	[sflag:s19] =	ssyncadd.s32 $0xFFFFD800  }
0x5f: {  	_ =	swait.ge [sflag:s20], $0x2800  }
0x60: {  	[sflag:s20] =	ssyncset.done $0x0  }
0x61: {  	s23 =	simm.s32 $0x0;
	[sflag:s20] =	ssyncadd.s32 $0xFFFFD800  }
0x62: {  	v12 =	vld [tilespmem:s23+$0x2880]  }
0x63: {  	v17 =	vld [tilespmem:s23+$0x5080]  }
0x64: {  	v19 =	vld [tilespmem:s23+$0x2890]  }
0x65: {  	v20 =	vld [tilespmem:s23+$0x5090]  }
0x66: {  	v5 =	vld [tilespmem:s23+$0x28A0]  }
0x67: {  	v9 =	vld [tilespmem:s23+$0x50A0]  }
0x68: {  	v7 =	vld [tilespmem:s23+$0x28B0]  }
0x69: {  	v11 =	vld [tilespmem:s23+$0x50B0]  }
0x6a: {  	v8 =	vld [tilespmem:s23+$0x28C0]  }
0x6b: {  	v10 =	vld [tilespmem:s23+$0x50C0]  }
0x6c: {  	v4 =	vld [tilespmem:s23+$0x28D0]  }
0x6d: {  	v6 =	vld [tilespmem:s23+$0x50D0]  }
0x6e: {  	v2 =	vld [tilespmem:s23+$0x28E0]  }
0x6f: {  	v3 =	vld [tilespmem:s23+$0x50E0]  }
0x70: {  	v0 =	vld [tilespmem:s23+$0x28F0]  }
0x71: {  	v1 =	vld [tilespmem:s23+$0x50F0]  }
0x72: {  	v16 =	vld [tilespmem:s23+$0x7880]  }
0x73: {  	v15 =	vld [tilespmem:s23+$0x7890]  }
0x74: {  	v14 =	vld [tilespmem:s23+$0x78A0]  }
0x75: {  	v13 =	vld [tilespmem:s23+$0x78B0];
	v18 =	vadd.f32 v17, v12  }
0x76: {  	s24 =	simm.s32 $0x200;
	v17 =	vadd.f32 v20, v19;
	v12 =	vld [tilespmem:s23+$0x78C0]  }
.LBB2_3:
0x77: {  	p0 =	sne.s32 s24, $0x9E00;
	v16 =	vadd.f32 v16, v18;
	v5 =	vadd.f32 v9, v5;
	v9 =	vld [tilespmem:s23+$0x78D0]  }
0x78: {  	v7 =	vadd.f32 v11, v7;
	v15 =	vadd.f32 v15, v17;
	v11 =	vld [tilespmem:s23+$0x78E0]  }
0x79: {  	s25 =	sshra.s32 s24, $0x2;
	v8 =	vadd.f32 v10, v8;
	v16 =	vmax.f32 v16, $0.0e+00;
	v5 =	vadd.f32 v14, v5;
	v10 =	vld [tilespmem:s23+$0x78F0]  }
0x7a: {  	v4 =	vadd.f32 v6, v4;
	v17 =	vld [tilespmem:s25+$0x2880];
	[tilespmem:s23+$0x7880] =	vst v16;
	v14 =	vmax.f32 v15, $0.0e+00;
	v7 =	vadd.f32 v13, v7  }
0x7b: {  	v2 =	vadd.f32 v3, v2;
	v13 =	vld [tilespmem:s25+$0x5080];
	[tilespmem:s23+$0x7890] =	vst v14;
	v5 =	vmax.f32 v5, $0.0e+00;
	v6 =	vadd.f32 v12, v8  }
0x7c: {  	v0 =	vadd.f32 v1, v0;
	v12 =	vld [tilespmem:s25+$0x2890];
	[tilespmem:s23+$0x78A0] =	vst v5;
	v3 =	vmax.f32 v7, $0.0e+00;
	v4 =	vadd.f32 v9, v4  }
0x7d: {  	v19 =	vld [tilespmem:s25+$0x5090];
	[tilespmem:s23+$0x78B0] =	vst v3;
	v1 =	vmax.f32 v6, $0.0e+00;
	v2 =	vadd.f32 v11, v2  }
0x7e: {  	v5 =	vld [tilespmem:s25+$0x28A0];
	[tilespmem:s23+$0x78C0] =	vst v1;
	v1 =	vmax.f32 v4, $0.0e+00;
	v0 =	vadd.f32 v10, v0  }
0x7f: {  	v9 =	vld [tilespmem:s25+$0x50A0];
	[tilespmem:s23+$0x78D0] =	vst v1;
	v1 =	vmax.f32 v2, $0.0e+00  }
0x80: {  	v7 =	vld [tilespmem:s25+$0x28B0];
	[tilespmem:s23+$0x78E0] =	vst v1;
	v0 =	vmax.f32 v0, $0.0e+00  }
0x81: {  	v11 =	vld [tilespmem:s25+$0x50B0];
	[tilespmem:s23+$0x78F0] =	vst v0;
	s23 =	smov.u32 s25  }
0x82: {  	v8 =	vld [tilespmem:s23+$0x28C0]  }
0x83: {  	v10 =	vld [tilespmem:s23+$0x50C0]  }
0x84: {  	v4 =	vld [tilespmem:s23+$0x28D0]  }
0x85: {  	v6 =	vld [tilespmem:s23+$0x50D0]  }
0x86: {  	v2 =	vld [tilespmem:s23+$0x28E0]  }
0x87: {  	v3 =	vld [tilespmem:s23+$0x50E0]  }
0x88: {  	v0 =	vld [tilespmem:s23+$0x28F0]  }
0x89: {  	v1 =	vld [tilespmem:s23+$0x50F0]  }
.Ltmp0:
0x8a: {  	v16 =	vld [tilespmem:s23+$0x7880];
	(pc) =	sbr.rel @p0 .LBB2_3-.Ltmp0, $4  }
0x8b: {  	v15 =	vld [tilespmem:s23+$0x7890]  }
0x8c: {  	v14 =	vld [tilespmem:s23+$0x78A0]  }
0x8d: {  	v18 =	vadd.f32 v13, v17;
	v13 =	vld [tilespmem:s23+$0x78B0]  }
0x8e: {  	s24 =	sadd.s32 $0x200, s24;
	v17 =	vadd.f32 v19, v12;
	v12 =	vld [tilespmem:s23+$0x78C0]  }
0x8f: {  	v16 =	vadd.f32 v16, v18;
	v5 =	vadd.f32 v9, v5;
	v55 =	vld [tilespmem:s23+$0x78D0]  }
0x90: {  	v7 =	vadd.f32 v11, v7;
	v56 =	vld [tilespmem:s23+$0x78E0];
	v15 =	vadd.f32 v15, v17  }
0x91: {  	v8 =	vadd.f32 v10, v8;
	v57 =	vld [tilespmem:s23+$0x78F0];
	v16 =	vmax.f32 v16, $0.0e+00;
	v5 =	vadd.f32 v14, v5  }
0x92: {  	v4 =	vadd.f32 v6, v4;
	[tilespmem:s23+$0x7880] =	vst v16;
	v58 =	vmax.f32 v15, $0.0e+00;
	v7 =	vadd.f32 v13, v7  }
0x93: {  	v2 =	vadd.f32 v3, v2;
	[tilespmem:s23+$0x7890] =	vst v58;
	v5 =	vmax.f32 v5, $0.0e+00;
	v59 =	vadd.f32 v12, v8  }
0x94: {  	v0 =	vadd.f32 v1, v0;
	[tilespmem:s23+$0x78A0] =	vst v5;
	v60 =	vmax.f32 v7, $0.0e+00;
	v4 =	vadd.f32 v55, v4  }
0x95: {  	v2 =	vadd.f32 v56, v2;
	[tilespmem:s23+$0x78B0] =	vst v60;
	v61 =	vmax.f32 v59, $0.0e+00  }
0x96: {  	v0 =	vadd.f32 v57, v0;
	[tilespmem:s23+$0x78C0] =	vst v61;
	v62 =	vmax.f32 v4, $0.0e+00  }
0x97: {  	s22 =	sadd.s32 $0x1, s22;
	v63 =	vmax.f32 v2, $0.0e+00;
	[tilespmem:s23+$0x78D0] =	vst v62  }
0x98: {  	p0 =	sne.s32 s22, $0x7D;
	v0 =	vmax.f32 v0, $0.0e+00;
	[tilespmem:s23+$0x78E0] =	vst v63  }
.Ltmp1:
0x99: {  	[tilespmem:s23+$0x78F0] =	vst v0;
	(pc) =	sbr.rel @p0 .LBB2_2-.Ltmp1, $4  }
0x9a: {  	[spmem:s3] =	stream.indirect.scatter.add.f32 [tilespmem:s13], [sflag:$0x4], $0x80, s0, s30, $0xb8;
	[tilespmem:$0x1DC80] =	vst v63  }
0x9b: {  	_ =	swait.ge [sflag:s29], $0x2800  }
0x9c: {  	[sflag:s29] =	ssyncset.done $0x0  }
0x9d: {  	[sflag:s29] =	ssyncadd.s32 $0xFFFFD800  }
0x9e: {  	[bflag:$0x0] =	sbarrier.arrive $0xFFFF  }
0x9f: {  	[tilespmem:s1], [sflag:$0x4] =	stream.linear.gather [spmem:s9], $0x2800, $0x38;
	[tilespmem:$0x1DC80] =	vst v63  }
0xa0: {  	_ =	swait.ge [sflag:s29], $0x2800  }
0xa1: {  	[sflag:s29] =	ssyncset.done $0x0  }
0xa2: {  	s22 =	rddreg [dreg:$0x7];
	[sflag:s29] =	ssyncadd.s32 $0xFFFFD800  }
0xa3: {  	[hbm4b:s22+s5] =	stream.linear.scatter [tilespmem:s1], [sflag:$0x4], $0x2800, $0x38;
	[tilespmem:$0x1DC80] =	vst v63  }
0xa4: {  	_ =	swait.ge [sflag:s29], $0x2800  }
0xa5: {  	[sflag:s29] =	ssyncset.done $0x0  }
0xa6: {  	[sflag:s29] =	ssyncadd.s32 $0xFFFFD800  }
0xa7: {  	[tilespmem:s1], [sflag:$0x4] =	stream.linear.gather [spmem:s15], $0x2800, $0x38;
	[tilespmem:$0x1DC80] =	vst v63  }
0xa8: {  	_ =	swait.ge [sflag:s29], $0x2800  }
0xa9: {  	[sflag:s29] =	ssyncset.done $0x0  }
0xaa: {  	s24 =	rddreg [dreg:$0x8];
	[sflag:s29] =	ssyncadd.s32 $0xFFFFD800  }
0xab: {  	[hbm4b:s24+s5] =	stream.linear.scatter [tilespmem:s1], [sflag:$0x4], $0x2800, $0x38;
	[tilespmem:$0x1DC80] =	vst v63  }
0xac: {  	_ =	swait.ge [sflag:s29], $0x2800  }
0xad: {  	[sflag:s29] =	ssyncset.done $0x0  }
0xae: {  	[sflag:s29] =	ssyncadd.s32 $0xFFFFD800  }
0xaf: {  	[tilespmem:s1], [sflag:$0x4] =	stream.linear.gather [spmem:s16], $0x2800, $0x38;
	[tilespmem:$0x1DC80] =	vst v63  }
0xb0: {  	_ =	swait.ge [sflag:s29], $0x2800  }
0xb1: {  	[sflag:s29] =	ssyncset.done $0x0  }
0xb2: {  	s25 =	rddreg [dreg:$0x9];
	[sflag:s29] =	ssyncadd.s32 $0xFFFFD800  }
0xb3: {  	[hbm4b:s25+s5] =	stream.linear.scatter [tilespmem:s1], [sflag:$0x4], $0x2800, $0x38;
	[tilespmem:$0x1DC80] =	vst v63  }
0xb4: {  	_ =	swait.ge [sflag:s29], $0x2800  }
0xb5: {  	[sflag:s29] =	ssyncset.done $0x0  }
0xb6: {  	[sflag:s29] =	ssyncadd.s32 $0xFFFFD800  }
0xb7: {  	[tilespmem:s1], [sflag:$0x4] =	stream.linear.gather [spmem:s17], $0x2800, $0x38;
	[tilespmem:$0x1DC80] =	vst v63  }
0xb8: {  	_ =	swait.ge [sflag:s29], $0x2800  }
0xb9: {  	[sflag:s29] =	ssyncset.done $0x0  }
0xba: {  	s23 =	rddreg [dreg:$0xa];
	[sflag:s29] =	ssyncadd.s32 $0xFFFFD800  }
0xbb: {  	[hbm4b:s23+s5] =	stream.linear.scatter [tilespmem:s1], [sflag:$0x4], $0x2800, $0x38;
	[tilespmem:$0x1DC80] =	vst v63  }
0xbc: {  	_ =	swait.ge [sflag:s29], $0x2800  }
0xbd: {  	[sflag:s29] =	ssyncset.done $0x0  }
0xbe: {  	[sflag:s29] =	ssyncadd.s32 $0xFFFFD800  }
0xbf: {  	[tilespmem:s1], [sflag:$0x4] =	stream.linear.gather [spmem:s18], $0x2800, $0x38;
	[tilespmem:$0x1DC80] =	vst v63  }
0xc0: {  	_ =	swait.ge [sflag:s29], $0x2800  }
0xc1: {  	[sflag:s29] =	ssyncset.done $0x0  }
0xc2: {  	s24 =	rddreg [dreg:$0xb];
	[sflag:s29] =	ssyncadd.s32 $0xFFFFD800  }
0xc3: {  	[hbm4b:s24+s5] =	stream.linear.scatter [tilespmem:s1], [sflag:$0x4], $0x2800, $0x38;
	[tilespmem:$0x1DC80] =	vst v63  }
0xc4: {  	_ =	swait.ge [sflag:s29], $0x2800  }
0xc5: {  	[sflag:s29] =	ssyncset.done $0x0  }
0xc6: {  	[sflag:s29] =	ssyncadd.s32 $0xFFFFD800  }
0xc7: {  	[tilespmem:s1], [sflag:$0x4] =	stream.linear.gather [spmem:s26], $0x2800, $0x38;
	[tilespmem:$0x1DC80] =	vst v63  }
0xc8: {  	_ =	swait.ge [sflag:s29], $0x2800  }
0xc9: {  	[sflag:s29] =	ssyncset.done $0x0  }
0xca: {  	s25 =	rddreg [dreg:$0xc];
	[sflag:s29] =	ssyncadd.s32 $0xFFFFD800  }
0xcb: {  	[hbm4b:s25+s5] =	stream.linear.scatter [tilespmem:s1], [sflag:$0x4], $0x2800, $0x38;
	[tilespmem:$0x1DC80] =	vst v63  }
0xcc: {  	_ =	swait.ge [sflag:s29], $0x2800  }
0xcd: {  	[sflag:s29] =	ssyncset.done $0x0  }
0xce: {  	[sflag:s29] =	ssyncadd.s32 $0xFFFFD800  }
0xcf: {  	[tilespmem:s1], [sflag:$0x4] =	stream.linear.gather [spmem:s28], $0x2800, $0x38;
	[tilespmem:$0x1DC80] =	vst v63  }
0xd0: {  	_ =	swait.ge [sflag:s29], $0x2800  }
0xd1: {  	[sflag:s29] =	ssyncset.done $0x0  }
0xd2: {  	s23 =	rddreg [dreg:$0xd];
	[sflag:s29] =	ssyncadd.s32 $0xFFFFD800  }
0xd3: {  	[hbm4b:s23+s5] =	stream.linear.scatter [tilespmem:s1], [sflag:$0x4], $0x2800, $0x38;
	[tilespmem:$0x1DC80] =	vst v63  }
0xd4: {  	_ =	swait.ge [sflag:s29], $0x2800  }
0xd5: {  	[sflag:s29] =	ssyncset.done $0x0  }
0xd6: {  	[sflag:s29] =	ssyncadd.s32 $0xFFFFD800  }
0xd7: {  	[tilespmem:s1], [sflag:$0x4] =	stream.linear.gather [spmem:s11], $0x2400, $0x38;
	[tilespmem:$0x1DC80] =	vst v63  }
0xd8: {  	_ =	swait.ge [sflag:s29], $0x2400  }
0xd9: {  	[sflag:s29] =	ssyncset.done $0x0  }
0xda: {  	s24 =	rddreg [dreg:$0x5];
	[sflag:s29] =	ssyncadd.s32 $0xFFFFDC00  }
0xdb: {  	[hbm4b:s24+s5] =	stream.linear.scatter [tilespmem:s1], [sflag:$0x4], $0x2400, $0x38;
	[tilespmem:$0x1DC80] =	vst v63  }
0xdc: {  	_ =	swait.ge [sflag:s29], $0x2400  }
0xdd: {  	s21 =	sadd.s32 $0x1, s21;
	s25 =	rddreg [dreg:$0x6]  }
0xde: {  	p0 =	sne.s32 s21, s25  }
.Ltmp2:
0xdf: {  	_ = 	snop;
	(pc) =	sbr.rel @p0 .LBB2_1-.Ltmp2, $3  }
0xe0: {  	_ =	sdelay $0x1  }
0xe1: {  	[sflag:s29] =	ssyncset.done $0x0  }
0xe2: {  	[sflag:s29] =	ssyncadd.s32 $0xFFFFDC00  }
0xe3: {  	_ =	sfence.sel $0x180000  }
0xe4: {  	[bflag:$0x0] =	sbarrier.arrive $0xFFFF  }
0xe5: {  	_ =	strace $0x90000047  }
0xe6: {  	s0 =	stileid.u32;
	[bflag:$0x2] =	sbarrier.arrive $0xFFFF  }
0xe7: {  	p0 =	sne.s32 s0, $0x0;
	s0 =	rddreg [dreg:$0x3]  }
0xe8: {  	s0 =	sadd.s32 @!p0 $0x100000, s0  }
0xe9: {  	[sflag:s0] =	ssyncadd.tile.s32 @!p0 $0x1;
	_ =	shalt  }
.Lfunc_end2:
_tile_overlayer_lowered:
.L_overlay_start_2:
0xea: {  	(tag) =	ssettag $0x2  }
0xeb: {  	s0 =	rddreg [dreg:$0x0];
	s2 =	stileid.u32  }
0xec: {  	s1 =	rddreg [dreg:$0x1];
	p0 =	sne.s32 s2, $0x0  }
0xed: {  	s3 =	rddreg [dreg:$0x2];
	[bflag:$0x3] =	sbarrier.arrive $0xFFFF;
	s2 =	simm.s32 @!p0 $0x1C04  }
0xee: {  	[timem:s3], [sflag:s2] =	dma.local @!p0 [hbm:s0], s1  }
0xef: {  	s0 =	simm.s32 @!p0 $0x4  }
0xf0: {  	_ =	swait.ge @!p0 [sflag:s0], s1  }
0xf1: {  	s1 =	ssub.s32 @!p0 $0x0, s1;
	[sflag:s0] =	ssyncset.done @!p0 $0x0  }
0xf2: {  	[sflag:s0] =	ssyncadd.s32 @!p0 s1  }
0xf3: {  	[bflag:$0x3] =	sbarrier.arrive $0xFFFF  }
0xf4: {  	_ =	shalt  }

</sc_bundles>
